<compile_context>
chip_gen: v7x
topology: tpu7x:2x2x1
jax: 0.10.2.dev20260603
libtpu: 0.0.44.dev20260713+nightly
codegen_flags: <defaults>
</compile_context>

<pallas_src>
import functools
import jax
import jax.numpy as jnp
from jax import lax
from jax.experimental import pallas as pl
from jax.experimental.pallas import tpu as pltpu
from jax.experimental.pallas import tpu_sc as plsc

_NUM_FIELDS = 26
_VOCAB = 100000
_DIM = 16
_BATCH = 16384
_DENSE = 13

_NC, _NS = 2, 16
_NW = _NC * _NS
_B_PER_W = _BATCH // _NW
_IDX_N = _NUM_FIELDS * _B_PER_W
_PERIOD = 208
_CHUNK_ROWS = 64
_CHUNK_IDX = _CHUNK_ROWS * _NUM_FIELDS
_NCHUNK = _B_PER_W // _CHUNK_ROWS


def _body(sparse_hbm, tab_hbm, out_hbm, idx_v, offs_v, asm0, asm1, sem0, sem1,
          wsem0, wsem1):
    wid = lax.axis_index("s") * _NC + lax.axis_index("c")
    base = wid * _B_PER_W

    stage = pltpu.async_copy(
        sparse_hbm.at[pl.ds(wid * _IDX_N, _IDX_N)], idx_v, sem0
    )

    for v in range(_PERIOD // 16):
        lanes = lax.iota(jnp.int32, 16) + (v * 16)
        offs_v[pl.ds(v * 16, 16)] = lax.rem(lanes, _NUM_FIELDS) * _VOCAB

    stage.wait()

    def add_off(g, _):
        for v in range(_PERIOD // 16):
            s = pl.ds(g * _PERIOD + v * 16, 16)
            idx_v[s] = idx_v[s] + offs_v[pl.ds(v * 16, 16)]
        return _

    lax.fori_loop(0, _IDX_N // _PERIOD, add_off, None)

    asm = (asm0, asm1)
    gsem = (sem0, sem1)
    wsem = (wsem0, wsem1)

    def gather(c):
        return pltpu.async_copy(
            tab_hbm.at[idx_v.at[pl.ds(c * _CHUNK_IDX, _CHUNK_IDX)]],
            asm[c % 2],
            gsem[c % 2],
        )

    def write(c):
        row0 = (base + c * _CHUNK_ROWS) * _NUM_FIELDS
        return pltpu.async_copy(
            asm[c % 2], out_hbm.at[pl.ds(row0, _CHUNK_IDX), :], wsem[c % 2]
        )

    gathers = [None] * _NCHUNK
    writes = [None] * _NCHUNK
    gathers[0] = gather(0)
    for c in range(_NCHUNK):
        if c >= 1:
            writes[c - 1].wait()
        if c + 1 < _NCHUNK:
            gathers[c + 1] = gather(c + 1)
        gathers[c].wait()
        writes[c] = write(c)
    writes[_NCHUNK - 1].wait()


@jax.jit
def kernel(dense, sparse, tables):
    tab_flat = tables.reshape(_NUM_FIELDS * _VOCAB, _DIM)
    sparse_flat = sparse.reshape(-1)
    mesh = plsc.VectorSubcoreMesh(core_axis_name="c", subcore_axis_name="s")
    run = pl.kernel(
        _body,
        out_type=jax.ShapeDtypeStruct((_BATCH * _NUM_FIELDS, _DIM), jnp.float32),
        mesh=mesh,
        scratch_types=[
            pltpu.VMEM((_IDX_N,), jnp.int32),
            pltpu.VMEM((_PERIOD,), jnp.int32),
            pltpu.VMEM((_CHUNK_IDX, _DIM), jnp.float32),
            pltpu.VMEM((_CHUNK_IDX, _DIM), jnp.float32),
            pltpu.SemaphoreType.DMA,
            pltpu.SemaphoreType.DMA,
            pltpu.SemaphoreType.DMA,
            pltpu.SemaphoreType.DMA,
        ],
        compiler_params=pltpu.CompilerParams(use_tc_tiling_on_sc=False),
    )
    embeds = run(sparse_flat, tab_flat)
    sparse_feats = embeds.reshape(_BATCH, _NUM_FIELDS * _DIM)
    return jnp.concatenate([dense, sparse_feats], axis=-1)

# --- scband reference (transcript-rebuilt; emitter-appended) ---
"""Pipeline reference for scband-feature-extractor-54099408060485 (READ-ONLY COPY).

The authoritative reference and input builder live on the scoring server;
editing this copy changes nothing except your own understanding.
"""

import jax, jax.numpy as jnp
import numpy as np

NUM_FIELDS = 26
VOCAB = 100000
DIM = 16
BATCH = 16384
DENSE_SIZE = 13


def setup_inputs(seed: int = 0) -> dict:
    key = jax.random.key(seed)
    k1, k2, k3 = jax.random.split(key, 3)
    dense = jax.random.normal(k1, (BATCH, DENSE_SIZE), dtype=jnp.float32)
    sparse = jax.random.randint(k2, (BATCH, NUM_FIELDS), 0, VOCAB, dtype=jnp.int32)
    # 26 embedding tables, all size [VOCAB, DIM], stacked on axis 0
    tables = jax.random.normal(k3, (NUM_FIELDS, VOCAB, DIM), dtype=jnp.float32) * 0.01
    return {"dense": dense, "sparse": sparse, "tables": tables}


def reference(dense, sparse, tables):
    # For each sparse field i: embedding_i(sparse[..., i]) == tables[i][sparse[:, i]]
    embeds = jax.vmap(lambda t, idx: jnp.take(t, idx, axis=0), in_axes=(0, 1), out_axes=1)(tables, sparse)  # [B, 26, 16]
    sparse_feature = embeds.reshape(embeds.shape[0], NUM_FIELDS * DIM)  # torch.cat of per-field embeds on last dim
    # dense slice index [0, 13]
    features = jnp.concatenate([dense[..., 0:DENSE_SIZE], sparse_feature], axis=-1)
    return features

if __name__ == "__main__":
    import jax
    _d = setup_inputs()
    print(jax.jit(kernel)(*tuple(_d.values())))

</pallas_src>

<mosaic_0001>
#map = affine_map<(d0, d1) -> (0)>
#map1 = affine_map<(d0, d1) -> (0, 0)>
module attributes {stable_mosaic.version = 14 : i64} {
  func.func @_body(%arg0: i32, %arg1: i32, %arg2: memref<425984xi32, #tpu.memory_space<hbm>>, %arg3: memref<2600000x16xf32, #tpu.memory_space<hbm>>, %arg4: memref<425984x16xf32, #tpu.memory_space<hbm>>, %arg5: memref<13312xi32, #tpu.memory_space<vmem>>, %arg6: memref<208xi32, #tpu.memory_space<vmem>>, %arg7: memref<1664x16xf32, #tpu.memory_space<vmem>>, %arg8: memref<1664x16xf32, #tpu.memory_space<vmem>>, %arg9: memref<!tpu.dma_semaphore, #tpu.memory_space<semaphore_mem>>, %arg10: memref<!tpu.dma_semaphore, #tpu.memory_space<semaphore_mem>>, %arg11: memref<!tpu.dma_semaphore, #tpu.memory_space<semaphore_mem>>, %arg12: memref<!tpu.dma_semaphore, #tpu.memory_space<semaphore_mem>>) attributes {dimension_semantics = [#tpu.dimension_semantics<core_parallel>, #tpu.dimension_semantics<subcore_parallel>], iteration_bounds = array<i64: 2, 16>, scalar_prefetch = 0 : i64, scratch_operands = 8 : i64, tpu.core_type = #tpu.core_type<sc_vector_subcore>, window_params = [{transform_indices = #map}, {transform_indices = #map1}, {transform_indices = #map1}]} {
    %mul3A = arith.constant 2 : i32
    %mul3A_0 = arith.muli %arg1, %mul3A : i32
    %add3A = arith.addi %mul3A_0, %arg0 : i32
    %mul3A_1 = arith.constant 512 : i32
    %mul3A_2 = arith.muli %add3A, %mul3A_1 : i32
    %mul3A_3 = arith.constant 13312 : i32
    %mul3A_4 = arith.muli %add3A, %mul3A_3 : i32
    %dma_start3A = tpu.memref_slice %arg2[%mul3A_4] : memref<425984xi32, #tpu.memory_space<hbm>> -> memref<13312xi32, #tpu.memory_space<hbm>>
    %dma_start3A_5 = tpu.memref_slice %arg2[%mul3A_4] : memref<425984xi32, #tpu.memory_space<hbm>> -> memref<13312xi32, #tpu.memory_space<hbm>>
    tpu.enqueue_dma source(%dma_start3A_5 : memref<13312xi32, #tpu.memory_space<hbm>>) target(%arg5 : memref<13312xi32, #tpu.memory_space<vmem>>) target_semaphore(%arg9 : memref<!tpu.dma_semaphore, #tpu.memory_space<semaphore_mem>>)
    %iota3A = tpu.iota {dimensions = array<i32: 0>} : vector<16xi32>
    %add3A_6 = arith.constant 0 : i32
    %add3A_7 = vector.broadcast %add3A_6 : i32 to vector<16xi32>
    %add3A_8 = arith.addi %iota3A, %add3A_7 : vector<16xi32>
    %rem3A = arith.constant 26 : i32
    %rem3A_9 = vector.broadcast %rem3A : i32 to vector<16xi32>
    %rem3A_10 = arith.remsi %add3A_8, %rem3A_9 : vector<16xi32>
    %mul3A_11 = arith.constant 100000 : i32
    %mul3A_12 = vector.broadcast %mul3A_11 : i32 to vector<16xi32>
    %mul3A_13 = arith.muli %rem3A_10, %mul3A_12 : vector<16xi32>
    %swap3A = arith.constant 0 : index
    %swap3A_14 = tpu.vector_load %arg6[%swap3A] {strides = array<i32>} : memref<208xi32, #tpu.memory_space<vmem>>, vector<16xi32>,
    %swap3A_15 = vector.shape_cast %swap3A_14 : vector<16xi32> to vector<16xi32>
    %swap3A_16 = vector.shape_cast %mul3A_13 : vector<16xi32> to vector<16xi32>
    tpu.vector_store %arg6[%swap3A], %swap3A_16 {strides = array<i32>} : memref<208xi32, #tpu.memory_space<vmem>>, vector<16xi32>,
    %iota3A_17 = tpu.iota {dimensions = array<i32: 0>} : vector<16xi32>
    %add3A_18 = arith.constant 16 : i32
    %add3A_19 = vector.broadcast %add3A_18 : i32 to vector<16xi32>
    %add3A_20 = arith.addi %iota3A_17, %add3A_19 : vector<16xi32>
    %rem3A_21 = arith.constant 26 : i32
    %rem3A_22 = vector.broadcast %rem3A_21 : i32 to vector<16xi32>
    %rem3A_23 = arith.remsi %add3A_20, %rem3A_22 : vector<16xi32>
    %mul3A_24 = arith.constant 100000 : i32
    %mul3A_25 = vector.broadcast %mul3A_24 : i32 to vector<16xi32>
    %mul3A_26 = arith.muli %rem3A_23, %mul3A_25 : vector<16xi32>
    %swap3A_27 = arith.constant 16 : index
    %swap3A_28 = tpu.vector_load %arg6[%swap3A_27] {strides = array<i32>} : memref<208xi32, #tpu.memory_space<vmem>>, vector<16xi32>,
    %swap3A_29 = vector.shape_cast %swap3A_28 : vector<16xi32> to vector<16xi32>
    %swap3A_30 = vector.shape_cast %mul3A_26 : vector<16xi32> to vector<16xi32>
    tpu.vector_store %arg6[%swap3A_27], %swap3A_30 {strides = array<i32>} : memref<208xi32, #tpu.memory_space<vmem>>, vector<16xi32>,
    %iota3A_31 = tpu.iota {dimensions = array<i32: 0>} : vector<16xi32>
    %add3A_32 = arith.constant 32 : i32
    %add3A_33 = vector.broadcast %add3A_32 : i32 to vector<16xi32>
    %add3A_34 = arith.addi %iota3A_31, %add3A_33 : vector<16xi32>
    %rem3A_35 = arith.constant 26 : i32
    %rem3A_36 = vector.broadcast %rem3A_35 : i32 to vector<16xi32>
    %rem3A_37 = arith.remsi %add3A_34, %rem3A_36 : vector<16xi32>
    %mul3A_38 = arith.constant 100000 : i32
    %mul3A_39 = vector.broadcast %mul3A_38 : i32 to vector<16xi32>
    %mul3A_40 = arith.muli %rem3A_37, %mul3A_39 : vector<16xi32>
    %swap3A_41 = arith.constant 32 : index
    %swap3A_42 = tpu.vector_load %arg6[%swap3A_41] {strides = array<i32>} : memref<208xi32, #tpu.memory_space<vmem>>, vector<16xi32>,
    %swap3A_43 = vector.shape_cast %swap3A_42 : vector<16xi32> to vector<16xi32>
    %swap3A_44 = vector.shape_cast %mul3A_40 : vector<16xi32> to vector<16xi32>
    tpu.vector_store %arg6[%swap3A_41], %swap3A_44 {strides = array<i32>} : memref<208xi32, #tpu.memory_space<vmem>>, vector<16xi32>,
    %iota3A_45 = tpu.iota {dimensions = array<i32: 0>} : vector<16xi32>
    %add3A_46 = arith.constant 48 : i32
    %add3A_47 = vector.broadcast %add3A_46 : i32 to vector<16xi32>
    %add3A_48 = arith.addi %iota3A_45, %add3A_47 : vector<16xi32>
    %rem3A_49 = arith.constant 26 : i32
    %rem3A_50 = vector.broadcast %rem3A_49 : i32 to vector<16xi32>
    %rem3A_51 = arith.remsi %add3A_48, %rem3A_50 : vector<16xi32>
    %mul3A_52 = arith.constant 100000 : i32
    %mul3A_53 = vector.broadcast %mul3A_52 : i32 to vector<16xi32>
    %mul3A_54 = arith.muli %rem3A_51, %mul3A_53 : vector<16xi32>
    %swap3A_55 = arith.constant 48 : index
    %swap3A_56 = tpu.vector_load %arg6[%swap3A_55] {strides = array<i32>} : memref<208xi32, #tpu.memory_space<vmem>>, vector<16xi32>,
    %swap3A_57 = vector.shape_cast %swap3A_56 : vector<16xi32> to vector<16xi32>
    %swap3A_58 = vector.shape_cast %mul3A_54 : vector<16xi32> to vector<16xi32>
    tpu.vector_store %arg6[%swap3A_55], %swap3A_58 {strides = array<i32>} : memref<208xi32, #tpu.memory_space<vmem>>, vector<16xi32>,
    %iota3A_59 = tpu.iota {dimensions = array<i32: 0>} : vector<16xi32>
    %add3A_60 = arith.constant 64 : i32
    %add3A_61 = vector.broadcast %add3A_60 : i32 to vector<16xi32>
    %add3A_62 = arith.addi %iota3A_59, %add3A_61 : vector<16xi32>
    %rem3A_63 = arith.constant 26 : i32
    %rem3A_64 = vector.broadcast %rem3A_63 : i32 to vector<16xi32>
    %rem3A_65 = arith.remsi %add3A_62, %rem3A_64 : vector<16xi32>
    %mul3A_66 = arith.constant 100000 : i32
    %mul3A_67 = vector.broadcast %mul3A_66 : i32 to vector<16xi32>
    %mul3A_68 = arith.muli %rem3A_65, %mul3A_67 : vector<16xi32>
    %swap3A_69 = arith.constant 64 : index
    %swap3A_70 = tpu.vector_load %arg6[%swap3A_69] {strides = array<i32>} : memref<208xi32, #tpu.memory_space<vmem>>, vector<16xi32>,
    %swap3A_71 = vector.shape_cast %swap3A_70 : vector<16xi32> to vector<16xi32>
    %swap3A_72 = vector.shape_cast %mul3A_68 : vector<16xi32> to vector<16xi32>
    tpu.vector_store %arg6[%swap3A_69], %swap3A_72 {strides = array<i32>} : memref<208xi32, #tpu.memory_space<vmem>>, vector<16xi32>,
    %iota3A_73 = tpu.iota {dimensions = array<i32: 0>} : vector<16xi32>
    %add3A_74 = arith.constant 80 : i32
    %add3A_75 = vector.broadcast %add3A_74 : i32 to vector<16xi32>
    %add3A_76 = arith.addi %iota3A_73, %add3A_75 : vector<16xi32>
    %rem3A_77 = arith.constant 26 : i32
    %rem3A_78 = vector.broadcast %rem3A_77 : i32 to vector<16xi32>
    %rem3A_79 = arith.remsi %add3A_76, %rem3A_78 : vector<16xi32>
    %mul3A_80 = arith.constant 100000 : i32
    %mul3A_81 = vector.broadcast %mul3A_80 : i32 to vector<16xi32>
    %mul3A_82 = arith.muli %rem3A_79, %mul3A_81 : vector<16xi32>
    %swap3A_83 = arith.constant 80 : index
    %swap3A_84 = tpu.vector_load %arg6[%swap3A_83] {strides = array<i32>} : memref<208xi32, #tpu.memory_space<vmem>>, vector<16xi32>,
    %swap3A_85 = vector.shape_cast %swap3A_84 : vector<16xi32> to vector<16xi32>
    %swap3A_86 = vector.shape_cast %mul3A_82 : vector<16xi32> to vector<16xi32>
    tpu.vector_store %arg6[%swap3A_83], %swap3A_86 {strides = array<i32>} : memref<208xi32, #tpu.memory_space<vmem>>, vector<16xi32>,
    %iota3A_87 = tpu.iota {dimensions = array<i32: 0>} : vector<16xi32>
    %add3A_88 = arith.constant 96 : i32
    %add3A_89 = vector.broadcast %add3A_88 : i32 to vector<16xi32>
    %add3A_90 = arith.addi %iota3A_87, %add3A_89 : vector<16xi32>
    %rem3A_91 = arith.constant 26 : i32
    %rem3A_92 = vector.broadcast %rem3A_91 : i32 to vector<16xi32>
    %rem3A_93 = arith.remsi %add3A_90, %rem3A_92 : vector<16xi32>
    %mul3A_94 = arith.constant 100000 : i32
    %mul3A_95 = vector.broadcast %mul3A_94 : i32 to vector<16xi32>
    %mul3A_96 = arith.muli %rem3A_93, %mul3A_95 : vector<16xi32>
    %swap3A_97 = arith.constant 96 : index
    %swap3A_98 = tpu.vector_load %arg6[%swap3A_97] {strides = array<i32>} : memref<208xi32, #tpu.memory_space<vmem>>, vector<16xi32>,
    %swap3A_99 = vector.shape_cast %swap3A_98 : vector<16xi32> to vector<16xi32>
    %swap3A_100 = vector.shape_cast %mul3A_96 : vector<16xi32> to vector<16xi32>
    tpu.vector_store %arg6[%swap3A_97], %swap3A_100 {strides = array<i32>} : memref<208xi32, #tpu.memory_space<vmem>>, vector<16xi32>,
    %iota3A_101 = tpu.iota {dimensions = array<i32: 0>} : vector<16xi32>
    %add3A_102 = arith.constant 112 : i32
    %add3A_103 = vector.broadcast %add3A_102 : i32 to vector<16xi32>
    %add3A_104 = arith.addi %iota3A_101, %add3A_103 : vector<16xi32>
    %rem3A_105 = arith.constant 26 : i32
    %rem3A_106 = vector.broadcast %rem3A_105 : i32 to vector<16xi32>
    %rem3A_107 = arith.remsi %add3A_104, %rem3A_106 : vector<16xi32>
    %mul3A_108 = arith.constant 100000 : i32
    %mul3A_109 = vector.broadcast %mul3A_108 : i32 to vector<16xi32>
    %mul3A_110 = arith.muli %rem3A_107, %mul3A_109 : vector<16xi32>
    %swap3A_111 = arith.constant 112 : index
    %swap3A_112 = tpu.vector_load %arg6[%swap3A_111] {strides = array<i32>} : memref<208xi32, #tpu.memory_space<vmem>>, vector<16xi32>,
    %swap3A_113 = vector.shape_cast %swap3A_112 : vector<16xi32> to vector<16xi32>
    %swap3A_114 = vector.shape_cast %mul3A_110 : vector<16xi32> to vector<16xi32>
    tpu.vector_store %arg6[%swap3A_111], %swap3A_114 {strides = array<i32>} : memref<208xi32, #tpu.memory_space<vmem>>, vector<16xi32>,
    %iota3A_115 = tpu.iota {dimensions = array<i32: 0>} : vector<16xi32>
    %add3A_116 = arith.constant 128 : i32
    %add3A_117 = vector.broadcast %add3A_116 : i32 to vector<16xi32>
    %add3A_118 = arith.addi %iota3A_115, %add3A_117 : vector<16xi32>
    %rem3A_119 = arith.constant 26 : i32
    %rem3A_120 = vector.broadcast %rem3A_119 : i32 to vector<16xi32>
    %rem3A_121 = arith.remsi %add3A_118, %rem3A_120 : vector<16xi32>
    %mul3A_122 = arith.constant 100000 : i32
    %mul3A_123 = vector.broadcast %mul3A_122 : i32 to vector<16xi32>
    %mul3A_124 = arith.muli %rem3A_121, %mul3A_123 : vector<16xi32>
    %swap3A_125 = arith.constant 128 : index
    %swap3A_126 = tpu.vector_load %arg6[%swap3A_125] {strides = array<i32>} : memref<208xi32, #tpu.memory_space<vmem>>, vector<16xi32>,
    %swap3A_127 = vector.shape_cast %swap3A_126 : vector<16xi32> to vector<16xi32>
    %swap3A_128 = vector.shape_cast %mul3A_124 : vector<16xi32> to vector<16xi32>
    tpu.vector_store %arg6[%swap3A_125], %swap3A_128 {strides = array<i32>} : memref<208xi32, #tpu.memory_space<vmem>>, vector<16xi32>,
    %iota3A_129 = tpu.iota {dimensions = array<i32: 0>} : vector<16xi32>
    %add3A_130 = arith.constant 144 : i32
    %add3A_131 = vector.broadcast %add3A_130 : i32 to vector<16xi32>
    %add3A_132 = arith.addi %iota3A_129, %add3A_131 : vector<16xi32>
    %rem3A_133 = arith.constant 26 : i32
    %rem3A_134 = vector.broadcast %rem3A_133 : i32 to vector<16xi32>
    %rem3A_135 = arith.remsi %add3A_132, %rem3A_134 : vector<16xi32>
    %mul3A_136 = arith.constant 100000 : i32
    %mul3A_137 = vector.broadcast %mul3A_136 : i32 to vector<16xi32>
    %mul3A_138 = arith.muli %rem3A_135, %mul3A_137 : vector<16xi32>
    %swap3A_139 = arith.constant 144 : index
    %swap3A_140 = tpu.vector_load %arg6[%swap3A_139] {strides = array<i32>} : memref<208xi32, #tpu.memory_space<vmem>>, vector<16xi32>,
    %swap3A_141 = vector.shape_cast %swap3A_140 : vector<16xi32> to vector<16xi32>
    %swap3A_142 = vector.shape_cast %mul3A_138 : vector<16xi32> to vector<16xi32>
    tpu.vector_store %arg6[%swap3A_139], %swap3A_142 {strides = array<i32>} : memref<208xi32, #tpu.memory_space<vmem>>, vector<16xi32>,
    %iota3A_143 = tpu.iota {dimensions = array<i32: 0>} : vector<16xi32>
    %add3A_144 = arith.constant 160 : i32
    %add3A_145 = vector.broadcast %add3A_144 : i32 to vector<16xi32>
    %add3A_146 = arith.addi %iota3A_143, %add3A_145 : vector<16xi32>
    %rem3A_147 = arith.constant 26 : i32
    %rem3A_148 = vector.broadcast %rem3A_147 : i32 to vector<16xi32>
    %rem3A_149 = arith.remsi %add3A_146, %rem3A_148 : vector<16xi32>
    %mul3A_150 = arith.constant 100000 : i32
    %mul3A_151 = vector.broadcast %mul3A_150 : i32 to vector<16xi32>
    %mul3A_152 = arith.muli %rem3A_149, %mul3A_151 : vector<16xi32>
    %swap3A_153 = arith.constant 160 : index
    %swap3A_154 = tpu.vector_load %arg6[%swap3A_153] {strides = array<i32>} : memref<208xi32, #tpu.memory_space<vmem>>, vector<16xi32>,
    %swap3A_155 = vector.shape_cast %swap3A_154 : vector<16xi32> to vector<16xi32>
    %swap3A_156 = vector.shape_cast %mul3A_152 : vector<16xi32> to vector<16xi32>
    tpu.vector_store %arg6[%swap3A_153], %swap3A_156 {strides = array<i32>} : memref<208xi32, #tpu.memory_space<vmem>>, vector<16xi32>,
    %iota3A_157 = tpu.iota {dimensions = array<i32: 0>} : vector<16xi32>
    %add3A_158 = arith.constant 176 : i32
    %add3A_159 = vector.broadcast %add3A_158 : i32 to vector<16xi32>
    %add3A_160 = arith.addi %iota3A_157, %add3A_159 : vector<16xi32>
    %rem3A_161 = arith.constant 26 : i32
    %rem3A_162 = vector.broadcast %rem3A_161 : i32 to vector<16xi32>
    %rem3A_163 = arith.remsi %add3A_160, %rem3A_162 : vector<16xi32>
    %mul3A_164 = arith.constant 100000 : i32
    %mul3A_165 = vector.broadcast %mul3A_164 : i32 to vector<16xi32>
    %mul3A_166 = arith.muli %rem3A_163, %mul3A_165 : vector<16xi32>
    %swap3A_167 = arith.constant 176 : index
    %swap3A_168 = tpu.vector_load %arg6[%swap3A_167] {strides = array<i32>} : memref<208xi32, #tpu.memory_space<vmem>>, vector<16xi32>,
    %swap3A_169 = vector.shape_cast %swap3A_168 : vector<16xi32> to vector<16xi32>
    %swap3A_170 = vector.shape_cast %mul3A_166 : vector<16xi32> to vector<16xi32>
    tpu.vector_store %arg6[%swap3A_167], %swap3A_170 {strides = array<i32>} : memref<208xi32, #tpu.memory_space<vmem>>, vector<16xi32>,
    %iota3A_171 = tpu.iota {dimensions = array<i32: 0>} : vector<16xi32>
    %add3A_172 = arith.constant 192 : i32
    %add3A_173 = vector.broadcast %add3A_172 : i32 to vector<16xi32>
    %add3A_174 = arith.addi %iota3A_171, %add3A_173 : vector<16xi32>
    %rem3A_175 = arith.constant 26 : i32
    %rem3A_176 = vector.broadcast %rem3A_175 : i32 to vector<16xi32>
    %rem3A_177 = arith.remsi %add3A_174, %rem3A_176 : vector<16xi32>
    %mul3A_178 = arith.constant 100000 : i32
    %mul3A_179 = vector.broadcast %mul3A_178 : i32 to vector<16xi32>
    %mul3A_180 = arith.muli %rem3A_177, %mul3A_179 : vector<16xi32>
    %swap3A_181 = arith.constant 192 : index
    %swap3A_182 = tpu.vector_load %arg6[%swap3A_181] {strides = array<i32>} : memref<208xi32, #tpu.memory_space<vmem>>, vector<16xi32>,
    %swap3A_183 = vector.shape_cast %swap3A_182 : vector<16xi32> to vector<16xi32>
    %swap3A_184 = vector.shape_cast %mul3A_180 : vector<16xi32> to vector<16xi32>
    tpu.vector_store %arg6[%swap3A_181], %swap3A_184 {strides = array<i32>} : memref<208xi32, #tpu.memory_space<vmem>>, vector<16xi32>,
    %dma_wait3A = tpu.memref_slice %arg2[%mul3A_4] : memref<425984xi32, #tpu.memory_space<hbm>> -> memref<13312xi32, #tpu.memory_space<hbm>>
    %dma_wait3A_185 = tpu.memref_slice %arg2[%mul3A_4] : memref<425984xi32, #tpu.memory_space<hbm>> -> memref<13312xi32, #tpu.memory_space<hbm>>
    tpu.wait_dma2 semaphore(%arg9 : memref<!tpu.dma_semaphore, #tpu.memory_space<semaphore_mem>>) src(%dma_wait3A_185 : memref<13312xi32, #tpu.memory_space<hbm>>) dst(%arg5 : memref<13312xi32, #tpu.memory_space<vmem>>)
    %scan3A = arith.constant 0 : i32
    %scan3A_186 = arith.constant 64 : i32
    %scan3A_187 = arith.addi %scan3A, %scan3A_186 : i32
    %scan3A_188 = arith.constant 1 : i32
    scf.for %scan3A_366 = %scan3A to %scan3A_187 step %scan3A_188  : i32 {
      %mul3A_367 = arith.constant 208 : i32
      %mul3A_368 = arith.muli %scan3A_366, %mul3A_367 : i32
      %add3A_369 = arith.constant 0 : i32
      %add3A_370 = arith.addi %mul3A_368, %add3A_369 : i32
      %get3A = arith.index_cast %add3A_370 : i32 to index
      %get3A_371 = tpu.vector_load %arg5[%get3A] {strides = array<i32>} : memref<13312xi32, #tpu.memory_space<vmem>>, vector<16xi32>,
      %get3A_372 = vector.shape_cast %get3A_371 : vector<16xi32> to vector<16xi32>
      %get3A_373 = arith.constant 0 : index
      %get3A_374 = tpu.vector_load %arg6[%get3A_373] {strides = array<i32>} : memref<208xi32, #tpu.memory_space<vmem>>, vector<16xi32>,
      %get3A_375 = vector.shape_cast %get3A_374 : vector<16xi32> to vector<16xi32>
      %add3A_376 = arith.addi %get3A_372, %get3A_375 : vector<16xi32>
      %swap3A_377 = arith.index_cast %add3A_370 : i32 to index
      %swap3A_378 = tpu.vector_load %arg5[%swap3A_377] {strides = array<i32>} : memref<13312xi32, #tpu.memory_space<vmem>>, vector<16xi32>,
      %swap3A_379 = vector.shape_cast %swap3A_378 : vector<16xi32> to vector<16xi32>
      %swap3A_380 = vector.shape_cast %add3A_376 : vector<16xi32> to vector<16xi32>
      tpu.vector_store %arg5[%swap3A_377], %swap3A_380 {strides = array<i32>} : memref<13312xi32, #tpu.memory_space<vmem>>, vector<16xi32>,
      %mul3A_381 = arith.constant 208 : i32
      %mul3A_382 = arith.muli %scan3A_366, %mul3A_381 : i32
      %add3A_383 = arith.constant 16 : i32
      %add3A_384 = arith.addi %mul3A_382, %add3A_383 : i32
      %get3A_385 = arith.index_cast %add3A_384 : i32 to index
      %get3A_386 = tpu.vector_load %arg5[%get3A_385] {strides = array<i32>} : memref<13312xi32, #tpu.memory_space<vmem>>, vector<16xi32>,
      %get3A_387 = vector.shape_cast %get3A_386 : vector<16xi32> to vector<16xi32>
      %get3A_388 = arith.constant 16 : index
      %get3A_389 = tpu.vector_load %arg6[%get3A_388] {strides = array<i32>} : memref<208xi32, #tpu.memory_space<vmem>>, vector<16xi32>,
      %get3A_390 = vector.shape_cast %get3A_389 : vector<16xi32> to vector<16xi32>
      %add3A_391 = arith.addi %get3A_387, %get3A_390 : vector<16xi32>
      %swap3A_392 = arith.index_cast %add3A_384 : i32 to index
      %swap3A_393 = tpu.vector_load %arg5[%swap3A_392] {strides = array<i32>} : memref<13312xi32, #tpu.memory_space<vmem>>, vector<16xi32>,
      %swap3A_394 = vector.shape_cast %swap3A_393 : vector<16xi32> to vector<16xi32>
      %swap3A_395 = vector.shape_cast %add3A_391 : vector<16xi32> to vector<16xi32>
      tpu.vector_store %arg5[%swap3A_392], %swap3A_395 {strides = array<i32>} : memref<13312xi32, #tpu.memory_space<vmem>>, vector<16xi32>,
      %mul3A_396 = arith.constant 208 : i32
      %mul3A_397 = arith.muli %scan3A_366, %mul3A_396 : i32
      %add3A_398 = arith.constant 32 : i32
      %add3A_399 = arith.addi %mul3A_397, %add3A_398 : i32
      %get3A_400 = arith.index_cast %add3A_399 : i32 to index
      %get3A_401 = tpu.vector_load %arg5[%get3A_400] {strides = array<i32>} : memref<13312xi32, #tpu.memory_space<vmem>>, vector<16xi32>,
      %get3A_402 = vector.shape_cast %get3A_401 : vector<16xi32> to vector<16xi32>
      %get3A_403 = arith.constant 32 : index
      %get3A_404 = tpu.vector_load %arg6[%get3A_403] {strides = array<i32>} : memref<208xi32, #tpu.memory_space<vmem>>, vector<16xi32>,
      %get3A_405 = vector.shape_cast %get3A_404 : vector<16xi32> to vector<16xi32>
      %add3A_406 = arith.addi %get3A_402, %get3A_405 : vector<16xi32>
      %swap3A_407 = arith.index_cast %add3A_399 : i32 to index
      %swap3A_408 = tpu.vector_load %arg5[%swap3A_407] {strides = array<i32>} : memref<13312xi32, #tpu.memory_space<vmem>>, vector<16xi32>,
      %swap3A_409 = vector.shape_cast %swap3A_408 : vector<16xi32> to vector<16xi32>
      %swap3A_410 = vector.shape_cast %add3A_406 : vector<16xi32> to vector<16xi32>
      tpu.vector_store %arg5[%swap3A_407], %swap3A_410 {strides = array<i32>} : memref<13312xi32, #tpu.memory_space<vmem>>, vector<16xi32>,
      %mul3A_411 = arith.constant 208 : i32
      %mul3A_412 = arith.muli %scan3A_366, %mul3A_411 : i32
      %add3A_413 = arith.constant 48 : i32
      %add3A_414 = arith.addi %mul3A_412, %add3A_413 : i32
      %get3A_415 = arith.index_cast %add3A_414 : i32 to index
      %get3A_416 = tpu.vector_load %arg5[%get3A_415] {strides = array<i32>} : memref<13312xi32, #tpu.memory_space<vmem>>, vector<16xi32>,
      %get3A_417 = vector.shape_cast %get3A_416 : vector<16xi32> to vector<16xi32>
      %get3A_418 = arith.constant 48 : index
      %get3A_419 = tpu.vector_load %arg6[%get3A_418] {strides = array<i32>} : memref<208xi32, #tpu.memory_space<vmem>>, vector<16xi32>,
      %get3A_420 = vector.shape_cast %get3A_419 : vector<16xi32> to vector<16xi32>
      %add3A_421 = arith.addi %get3A_417, %get3A_420 : vector<16xi32>
      %swap3A_422 = arith.index_cast %add3A_414 : i32 to index
      %swap3A_423 = tpu.vector_load %arg5[%swap3A_422] {strides = array<i32>} : memref<13312xi32, #tpu.memory_space<vmem>>, vector<16xi32>,
      %swap3A_424 = vector.shape_cast %swap3A_423 : vector<16xi32> to vector<16xi32>
      %swap3A_425 = vector.shape_cast %add3A_421 : vector<16xi32> to vector<16xi32>
      tpu.vector_store %arg5[%swap3A_422], %swap3A_425 {strides = array<i32>} : memref<13312xi32, #tpu.memory_space<vmem>>, vector<16xi32>,
      %mul3A_426 = arith.constant 208 : i32
      %mul3A_427 = arith.muli %scan3A_366, %mul3A_426 : i32
      %add3A_428 = arith.constant 64 : i32
      %add3A_429 = arith.addi %mul3A_427, %add3A_428 : i32
      %get3A_430 = arith.index_cast %add3A_429 : i32 to index
      %get3A_431 = tpu.vector_load %arg5[%get3A_430] {strides = array<i32>} : memref<13312xi32, #tpu.memory_space<vmem>>, vector<16xi32>,
      %get3A_432 = vector.shape_cast %get3A_431 : vector<16xi32> to vector<16xi32>
      %get3A_433 = arith.constant 64 : index
      %get3A_434 = tpu.vector_load %arg6[%get3A_433] {strides = array<i32>} : memref<208xi32, #tpu.memory_space<vmem>>, vector<16xi32>,
      %get3A_435 = vector.shape_cast %get3A_434 : vector<16xi32> to vector<16xi32>
      %add3A_436 = arith.addi %get3A_432, %get3A_435 : vector<16xi32>
      %swap3A_437 = arith.index_cast %add3A_429 : i32 to index
      %swap3A_438 = tpu.vector_load %arg5[%swap3A_437] {strides = array<i32>} : memref<13312xi32, #tpu.memory_space<vmem>>, vector<16xi32>,
      %swap3A_439 = vector.shape_cast %swap3A_438 : vector<16xi32> to vector<16xi32>
      %swap3A_440 = vector.shape_cast %add3A_436 : vector<16xi32> to vector<16xi32>
      tpu.vector_store %arg5[%swap3A_437], %swap3A_440 {strides = array<i32>} : memref<13312xi32, #tpu.memory_space<vmem>>, vector<16xi32>,
      %mul3A_441 = arith.constant 208 : i32
      %mul3A_442 = arith.muli %scan3A_366, %mul3A_441 : i32
      %add3A_443 = arith.constant 80 : i32
      %add3A_444 = arith.addi %mul3A_442, %add3A_443 : i32
      %get3A_445 = arith.index_cast %add3A_444 : i32 to index
      %get3A_446 = tpu.vector_load %arg5[%get3A_445] {strides = array<i32>} : memref<13312xi32, #tpu.memory_space<vmem>>, vector<16xi32>,
      %get3A_447 = vector.shape_cast %get3A_446 : vector<16xi32> to vector<16xi32>
      %get3A_448 = arith.constant 80 : index
      %get3A_449 = tpu.vector_load %arg6[%get3A_448] {strides = array<i32>} : memref<208xi32, #tpu.memory_space<vmem>>, vector<16xi32>,
      %get3A_450 = vector.shape_cast %get3A_449 : vector<16xi32> to vector<16xi32>
      %add3A_451 = arith.addi %get3A_447, %get3A_450 : vector<16xi32>
      %swap3A_452 = arith.index_cast %add3A_444 : i32 to index
      %swap3A_453 = tpu.vector_load %arg5[%swap3A_452] {strides = array<i32>} : memref<13312xi32, #tpu.memory_space<vmem>>, vector<16xi32>,
      %swap3A_454 = vector.shape_cast %swap3A_453 : vector<16xi32> to vector<16xi32>
      %swap3A_455 = vector.shape_cast %add3A_451 : vector<16xi32> to vector<16xi32>
      tpu.vector_store %arg5[%swap3A_452], %swap3A_455 {strides = array<i32>} : memref<13312xi32, #tpu.memory_space<vmem>>, vector<16xi32>,
      %mul3A_456 = arith.constant 208 : i32
      %mul3A_457 = arith.muli %scan3A_366, %mul3A_456 : i32
      %add3A_458 = arith.constant 96 : i32
      %add3A_459 = arith.addi %mul3A_457, %add3A_458 : i32
      %get3A_460 = arith.index_cast %add3A_459 : i32 to index
      %get3A_461 = tpu.vector_load %arg5[%get3A_460] {strides = array<i32>} : memref<13312xi32, #tpu.memory_space<vmem>>, vector<16xi32>,
      %get3A_462 = vector.shape_cast %get3A_461 : vector<16xi32> to vector<16xi32>
      %get3A_463 = arith.constant 96 : index
      %get3A_464 = tpu.vector_load %arg6[%get3A_463] {strides = array<i32>} : memref<208xi32, #tpu.memory_space<vmem>>, vector<16xi32>,
      %get3A_465 = vector.shape_cast %get3A_464 : vector<16xi32> to vector<16xi32>
      %add3A_466 = arith.addi %get3A_462, %get3A_465 : vector<16xi32>
      %swap3A_467 = arith.index_cast %add3A_459 : i32 to index
      %swap3A_468 = tpu.vector_load %arg5[%swap3A_467] {strides = array<i32>} : memref<13312xi32, #tpu.memory_space<vmem>>, vector<16xi32>,
      %swap3A_469 = vector.shape_cast %swap3A_468 : vector<16xi32> to vector<16xi32>
      %swap3A_470 = vector.shape_cast %add3A_466 : vector<16xi32> to vector<16xi32>
      tpu.vector_store %arg5[%swap3A_467], %swap3A_470 {strides = array<i32>} : memref<13312xi32, #tpu.memory_space<vmem>>, vector<16xi32>,
      %mul3A_471 = arith.constant 208 : i32
      %mul3A_472 = arith.muli %scan3A_366, %mul3A_471 : i32
      %add3A_473 = arith.constant 112 : i32
      %add3A_474 = arith.addi %mul3A_472, %add3A_473 : i32
      %get3A_475 = arith.index_cast %add3A_474 : i32 to index
      %get3A_476 = tpu.vector_load %arg5[%get3A_475] {strides = array<i32>} : memref<13312xi32, #tpu.memory_space<vmem>>, vector<16xi32>,
      %get3A_477 = vector.shape_cast %get3A_476 : vector<16xi32> to vector<16xi32>
      %get3A_478 = arith.constant 112 : index
      %get3A_479 = tpu.vector_load %arg6[%get3A_478] {strides = array<i32>} : memref<208xi32, #tpu.memory_space<vmem>>, vector<16xi32>,
      %get3A_480 = vector.shape_cast %get3A_479 : vector<16xi32> to vector<16xi32>
      %add3A_481 = arith.addi %get3A_477, %get3A_480 : vector<16xi32>
      %swap3A_482 = arith.index_cast %add3A_474 : i32 to index
      %swap3A_483 = tpu.vector_load %arg5[%swap3A_482] {strides = array<i32>} : memref<13312xi32, #tpu.memory_space<vmem>>, vector<16xi32>,
      %swap3A_484 = vector.shape_cast %swap3A_483 : vector<16xi32> to vector<16xi32>
      %swap3A_485 = vector.shape_cast %add3A_481 : vector<16xi32> to vector<16xi32>
      tpu.vector_store %arg5[%swap3A_482], %swap3A_485 {strides = array<i32>} : memref<13312xi32, #tpu.memory_space<vmem>>, vector<16xi32>,
      %mul3A_486 = arith.constant 208 : i32
      %mul3A_487 = arith.muli %scan3A_366, %mul3A_486 : i32
      %add3A_488 = arith.constant 128 : i32
      %add3A_489 = arith.addi %mul3A_487, %add3A_488 : i32
      %get3A_490 = arith.index_cast %add3A_489 : i32 to index
      %get3A_491 = tpu.vector_load %arg5[%get3A_490] {strides = array<i32>} : memref<13312xi32, #tpu.memory_space<vmem>>, vector<16xi32>,
      %get3A_492 = vector.shape_cast %get3A_491 : vector<16xi32> to vector<16xi32>
      %get3A_493 = arith.constant 128 : index
      %get3A_494 = tpu.vector_load %arg6[%get3A_493] {strides = array<i32>} : memref<208xi32, #tpu.memory_space<vmem>>, vector<16xi32>,
      %get3A_495 = vector.shape_cast %get3A_494 : vector<16xi32> to vector<16xi32>
      %add3A_496 = arith.addi %get3A_492, %get3A_495 : vector<16xi32>
      %swap3A_497 = arith.index_cast %add3A_489 : i32 to index
      %swap3A_498 = tpu.vector_load %arg5[%swap3A_497] {strides = array<i32>} : memref<13312xi32, #tpu.memory_space<vmem>>, vector<16xi32>,
      %swap3A_499 = vector.shape_cast %swap3A_498 : vector<16xi32> to vector<16xi32>
      %swap3A_500 = vector.shape_cast %add3A_496 : vector<16xi32> to vector<16xi32>
      tpu.vector_store %arg5[%swap3A_497], %swap3A_500 {strides = array<i32>} : memref<13312xi32, #tpu.memory_space<vmem>>, vector<16xi32>,
      %mul3A_501 = arith.constant 208 : i32
      %mul3A_502 = arith.muli %scan3A_366, %mul3A_501 : i32
      %add3A_503 = arith.constant 144 : i32
      %add3A_504 = arith.addi %mul3A_502, %add3A_503 : i32
      %get3A_505 = arith.index_cast %add3A_504 : i32 to index
      %get3A_506 = tpu.vector_load %arg5[%get3A_505] {strides = array<i32>} : memref<13312xi32, #tpu.memory_space<vmem>>, vector<16xi32>,
      %get3A_507 = vector.shape_cast %get3A_506 : vector<16xi32> to vector<16xi32>
      %get3A_508 = arith.constant 144 : index
      %get3A_509 = tpu.vector_load %arg6[%get3A_508] {strides = array<i32>} : memref<208xi32, #tpu.memory_space<vmem>>, vector<16xi32>,
      %get3A_510 = vector.shape_cast %get3A_509 : vector<16xi32> to vector<16xi32>
      %add3A_511 = arith.addi %get3A_507, %get3A_510 : vector<16xi32>
      %swap3A_512 = arith.index_cast %add3A_504 : i32 to index
      %swap3A_513 = tpu.vector_load %arg5[%swap3A_512] {strides = array<i32>} : memref<13312xi32, #tpu.memory_space<vmem>>, vector<16xi32>,
      %swap3A_514 = vector.shape_cast %swap3A_513 : vector<16xi32> to vector<16xi32>
      %swap3A_515 = vector.shape_cast %add3A_511 : vector<16xi32> to vector<16xi32>
      tpu.vector_store %arg5[%swap3A_512], %swap3A_515 {strides = array<i32>} : memref<13312xi32, #tpu.memory_space<vmem>>, vector<16xi32>,
      %mul3A_516 = arith.constant 208 : i32
      %mul3A_517 = arith.muli %scan3A_366, %mul3A_516 : i32
      %add3A_518 = arith.constant 160 : i32
      %add3A_519 = arith.addi %mul3A_517, %add3A_518 : i32
      %get3A_520 = arith.index_cast %add3A_519 : i32 to index
      %get3A_521 = tpu.vector_load %arg5[%get3A_520] {strides = array<i32>} : memref<13312xi32, #tpu.memory_space<vmem>>, vector<16xi32>,
      %get3A_522 = vector.shape_cast %get3A_521 : vector<16xi32> to vector<16xi32>
      %get3A_523 = arith.constant 160 : index
      %get3A_524 = tpu.vector_load %arg6[%get3A_523] {strides = array<i32>} : memref<208xi32, #tpu.memory_space<vmem>>, vector<16xi32>,
      %get3A_525 = vector.shape_cast %get3A_524 : vector<16xi32> to vector<16xi32>
      %add3A_526 = arith.addi %get3A_522, %get3A_525 : vector<16xi32>
      %swap3A_527 = arith.index_cast %add3A_519 : i32 to index
      %swap3A_528 = tpu.vector_load %arg5[%swap3A_527] {strides = array<i32>} : memref<13312xi32, #tpu.memory_space<vmem>>, vector<16xi32>,
      %swap3A_529 = vector.shape_cast %swap3A_528 : vector<16xi32> to vector<16xi32>
      %swap3A_530 = vector.shape_cast %add3A_526 : vector<16xi32> to vector<16xi32>
      tpu.vector_store %arg5[%swap3A_527], %swap3A_530 {strides = array<i32>} : memref<13312xi32, #tpu.memory_space<vmem>>, vector<16xi32>,
      %mul3A_531 = arith.constant 208 : i32
      %mul3A_532 = arith.muli %scan3A_366, %mul3A_531 : i32
      %add3A_533 = arith.constant 176 : i32
      %add3A_534 = arith.addi %mul3A_532, %add3A_533 : i32
      %get3A_535 = arith.index_cast %add3A_534 : i32 to index
      %get3A_536 = tpu.vector_load %arg5[%get3A_535] {strides = array<i32>} : memref<13312xi32, #tpu.memory_space<vmem>>, vector<16xi32>,
      %get3A_537 = vector.shape_cast %get3A_536 : vector<16xi32> to vector<16xi32>
      %get3A_538 = arith.constant 176 : index
      %get3A_539 = tpu.vector_load %arg6[%get3A_538] {strides = array<i32>} : memref<208xi32, #tpu.memory_space<vmem>>, vector<16xi32>,
      %get3A_540 = vector.shape_cast %get3A_539 : vector<16xi32> to vector<16xi32>
      %add3A_541 = arith.addi %get3A_537, %get3A_540 : vector<16xi32>
      %swap3A_542 = arith.index_cast %add3A_534 : i32 to index
      %swap3A_543 = tpu.vector_load %arg5[%swap3A_542] {strides = array<i32>} : memref<13312xi32, #tpu.memory_space<vmem>>, vector<16xi32>,
      %swap3A_544 = vector.shape_cast %swap3A_543 : vector<16xi32> to vector<16xi32>
      %swap3A_545 = vector.shape_cast %add3A_541 : vector<16xi32> to vector<16xi32>
      tpu.vector_store %arg5[%swap3A_542], %swap3A_545 {strides = array<i32>} : memref<13312xi32, #tpu.memory_space<vmem>>, vector<16xi32>,
      %mul3A_546 = arith.constant 208 : i32
      %mul3A_547 = arith.muli %scan3A_366, %mul3A_546 : i32
      %add3A_548 = arith.constant 192 : i32
      %add3A_549 = arith.addi %mul3A_547, %add3A_548 : i32
      %get3A_550 = arith.index_cast %add3A_549 : i32 to index
      %get3A_551 = tpu.vector_load %arg5[%get3A_550] {strides = array<i32>} : memref<13312xi32, #tpu.memory_space<vmem>>, vector<16xi32>,
      %get3A_552 = vector.shape_cast %get3A_551 : vector<16xi32> to vector<16xi32>
      %get3A_553 = arith.constant 192 : index
      %get3A_554 = tpu.vector_load %arg6[%get3A_553] {strides = array<i32>} : memref<208xi32, #tpu.memory_space<vmem>>, vector<16xi32>,
      %get3A_555 = vector.shape_cast %get3A_554 : vector<16xi32> to vector<16xi32>
      %add3A_556 = arith.addi %get3A_552, %get3A_555 : vector<16xi32>
      %swap3A_557 = arith.index_cast %add3A_549 : i32 to index
      %swap3A_558 = tpu.vector_load %arg5[%swap3A_557] {strides = array<i32>} : memref<13312xi32, #tpu.memory_space<vmem>>, vector<16xi32>,
      %swap3A_559 = vector.shape_cast %swap3A_558 : vector<16xi32> to vector<16xi32>
      %swap3A_560 = vector.shape_cast %add3A_556 : vector<16xi32> to vector<16xi32>
      tpu.vector_store %arg5[%swap3A_557], %swap3A_560 {strides = array<i32>} : memref<13312xi32, #tpu.memory_space<vmem>>, vector<16xi32>,
    }
    %scan3A_189 = arith.constant 64 : i32
    %dma_start3A_190 = arith.constant 0 : i32
    %dma_start3A_191 = tpu.memref_slice %arg5[%dma_start3A_190] : memref<13312xi32, #tpu.memory_space<vmem>> -> memref<1664xi32, #tpu.memory_space<vmem>>
    %dma_start3A_192 = arith.constant 0 : i32
    %dma_start3A_193 = arith.constant 0 : i32
    %dma_start3A_194 = tpu.memref_slice %arg3[%dma_start3A_192, %dma_start3A_193] : memref<2600000x16xf32, #tpu.memory_space<hbm>> -> memref<2600000x16xf32, #tpu.memory_space<hbm>>
    tpu.enqueue_indirect_dma source(%dma_start3A_194 : memref<2600000x16xf32, #tpu.memory_space<hbm>>) target(%arg7 : memref<1664x16xf32, #tpu.memory_space<vmem>>) offsets(%dma_start3A_191 : memref<1664xi32, #tpu.memory_space<vmem>>) semaphore(%arg9 : memref<!tpu.dma_semaphore, #tpu.memory_space<semaphore_mem>>)
    %dma_start3A_195 = arith.constant 1664 : i32
    %dma_start3A_196 = tpu.memref_slice %arg5[%dma_start3A_195] : memref<13312xi32, #tpu.memory_space<vmem>> -> memref<1664xi32, #tpu.memory_space<vmem>>
    %dma_start3A_197 = arith.constant 0 : i32
    %dma_start3A_198 = arith.constant 0 : i32
    %dma_start3A_199 = tpu.memref_slice %arg3[%dma_start3A_197, %dma_start3A_198] : memref<2600000x16xf32, #tpu.memory_space<hbm>> -> memref<2600000x16xf32, #tpu.memory_space<hbm>>
    tpu.enqueue_indirect_dma source(%dma_start3A_199 : memref<2600000x16xf32, #tpu.memory_space<hbm>>) target(%arg8 : memref<1664x16xf32, #tpu.memory_space<vmem>>) offsets(%dma_start3A_196 : memref<1664xi32, #tpu.memory_space<vmem>>) semaphore(%arg10 : memref<!tpu.dma_semaphore, #tpu.memory_space<semaphore_mem>>)
    %dma_wait3A_200 = arith.constant 0 : i32
    %dma_wait3A_201 = tpu.memref_slice %arg5[%dma_wait3A_200] : memref<13312xi32, #tpu.memory_space<vmem>> -> memref<1664xi32, #tpu.memory_space<vmem>>
    %dma_wait3A_202 = arith.constant 0 : i32
    %dma_wait3A_203 = arith.constant 0 : i32
    %dma_wait3A_204 = tpu.memref_slice %arg3[%dma_wait3A_202, %dma_wait3A_203] : memref<2600000x16xf32, #tpu.memory_space<hbm>> -> memref<2600000x16xf32, #tpu.memory_space<hbm>>
    tpu.wait_indirect_dma semaphore(%arg9 : memref<!tpu.dma_semaphore, #tpu.memory_space<semaphore_mem>>) src(%dma_wait3A_204 : memref<2600000x16xf32, #tpu.memory_space<hbm>>) dst(%arg7 : memref<1664x16xf32, #tpu.memory_space<vmem>>)
    %add3A_205 = arith.constant 0 : i32
    %add3A_206 = arith.addi %mul3A_2, %add3A_205 : i32
    %mul3A_207 = arith.constant 26 : i32
    %mul3A_208 = arith.muli %add3A_206, %mul3A_207 : i32
    %dma_start3A_209 = arith.constant 0 : i32
    %dma_start3A_210 = tpu.memref_slice %arg4[%mul3A_208, %dma_start3A_209] : memref<425984x16xf32, #tpu.memory_space<hbm>> -> memref<1664x16xf32, #tpu.memory_space<hbm>>
    %dma_start3A_211 = arith.constant 0 : i32
    %dma_start3A_212 = tpu.memref_slice %arg4[%mul3A_208, %dma_start3A_211] : memref<425984x16xf32, #tpu.memory_space<hbm>> -> memref<1664x16xf32, #tpu.memory_space<hbm>>
    tpu.enqueue_dma source(%arg7 : memref<1664x16xf32, #tpu.memory_space<vmem>>) target(%dma_start3A_212 : memref<1664x16xf32, #tpu.memory_space<hbm>>) target_semaphore(%arg11 : memref<!tpu.dma_semaphore, #tpu.memory_space<semaphore_mem>>)
    %dma_wait3A_213 = arith.constant 0 : i32
    %dma_wait3A_214 = tpu.memref_slice %arg4[%mul3A_208, %dma_wait3A_213] : memref<425984x16xf32, #tpu.memory_space<hbm>> -> memref<1664x16xf32, #tpu.memory_space<hbm>>
    %dma_wait3A_215 = arith.constant 0 : i32
    %dma_wait3A_216 = tpu.memref_slice %arg4[%mul3A_208, %dma_wait3A_215] : memref<425984x16xf32, #tpu.memory_space<hbm>> -> memref<1664x16xf32, #tpu.memory_space<hbm>>
    tpu.wait_dma2 semaphore(%arg11 : memref<!tpu.dma_semaphore, #tpu.memory_space<semaphore_mem>>) src(%arg7 : memref<1664x16xf32, #tpu.memory_space<vmem>>) dst(%dma_wait3A_216 : memref<1664x16xf32, #tpu.memory_space<hbm>>)
    %dma_start3A_217 = arith.constant 3328 : i32
    %dma_start3A_218 = tpu.memref_slice %arg5[%dma_start3A_217] : memref<13312xi32, #tpu.memory_space<vmem>> -> memref<1664xi32, #tpu.memory_space<vmem>>
    %dma_start3A_219 = arith.constant 0 : i32
    %dma_start3A_220 = arith.constant 0 : i32
    %dma_start3A_221 = tpu.memref_slice %arg3[%dma_start3A_219, %dma_start3A_220] : memref<2600000x16xf32, #tpu.memory_space<hbm>> -> memref<2600000x16xf32, #tpu.memory_space<hbm>>
    tpu.enqueue_indirect_dma source(%dma_start3A_221 : memref<2600000x16xf32, #tpu.memory_space<hbm>>) target(%arg7 : memref<1664x16xf32, #tpu.memory_space<vmem>>) offsets(%dma_start3A_218 : memref<1664xi32, #tpu.memory_space<vmem>>) semaphore(%arg9 : memref<!tpu.dma_semaphore, #tpu.memory_space<semaphore_mem>>)
    %dma_wait3A_222 = arith.constant 1664 : i32
    %dma_wait3A_223 = tpu.memref_slice %arg5[%dma_wait3A_222] : memref<13312xi32, #tpu.memory_space<vmem>> -> memref<1664xi32, #tpu.memory_space<vmem>>
    %dma_wait3A_224 = arith.constant 0 : i32
    %dma_wait3A_225 = arith.constant 0 : i32
    %dma_wait3A_226 = tpu.memref_slice %arg3[%dma_wait3A_224, %dma_wait3A_225] : memref<2600000x16xf32, #tpu.memory_space<hbm>> -> memref<2600000x16xf32, #tpu.memory_space<hbm>>
    tpu.wait_indirect_dma semaphore(%arg10 : memref<!tpu.dma_semaphore, #tpu.memory_space<semaphore_mem>>) src(%dma_wait3A_226 : memref<2600000x16xf32, #tpu.memory_space<hbm>>) dst(%arg8 : memref<1664x16xf32, #tpu.memory_space<vmem>>)
    %add3A_227 = arith.constant 64 : i32
    %add3A_228 = arith.addi %mul3A_2, %add3A_227 : i32
    %mul3A_229 = arith.constant 26 : i32
    %mul3A_230 = arith.muli %add3A_228, %mul3A_229 : i32
    %dma_start3A_231 = arith.constant 0 : i32
    %dma_start3A_232 = tpu.memref_slice %arg4[%mul3A_230, %dma_start3A_231] : memref<425984x16xf32, #tpu.memory_space<hbm>> -> memref<1664x16xf32, #tpu.memory_space<hbm>>
    %dma_start3A_233 = arith.constant 0 : i32
    %dma_start3A_234 = tpu.memref_slice %arg4[%mul3A_230, %dma_start3A_233] : memref<425984x16xf32, #tpu.memory_space<hbm>> -> memref<1664x16xf32, #tpu.memory_space<hbm>>
    tpu.enqueue_dma source(%arg8 : memref<1664x16xf32, #tpu.memory_space<vmem>>) target(%dma_start3A_234 : memref<1664x16xf32, #tpu.memory_space<hbm>>) target_semaphore(%arg12 : memref<!tpu.dma_semaphore, #tpu.memory_space<semaphore_mem>>)
    %dma_wait3A_235 = arith.constant 0 : i32
    %dma_wait3A_236 = tpu.memref_slice %arg4[%mul3A_230, %dma_wait3A_235] : memref<425984x16xf32, #tpu.memory_space<hbm>> -> memref<1664x16xf32, #tpu.memory_space<hbm>>
    %dma_wait3A_237 = arith.constant 0 : i32
    %dma_wait3A_238 = tpu.memref_slice %arg4[%mul3A_230, %dma_wait3A_237] : memref<425984x16xf32, #tpu.memory_space<hbm>> -> memref<1664x16xf32, #tpu.memory_space<hbm>>
    tpu.wait_dma2 semaphore(%arg12 : memref<!tpu.dma_semaphore, #tpu.memory_space<semaphore_mem>>) src(%arg8 : memref<1664x16xf32, #tpu.memory_space<vmem>>) dst(%dma_wait3A_238 : memref<1664x16xf32, #tpu.memory_space<hbm>>)
    %dma_start3A_239 = arith.constant 4992 : i32
    %dma_start3A_240 = tpu.memref_slice %arg5[%dma_start3A_239] : memref<13312xi32, #tpu.memory_space<vmem>> -> memref<1664xi32, #tpu.memory_space<vmem>>
    %dma_start3A_241 = arith.constant 0 : i32
    %dma_start3A_242 = arith.constant 0 : i32
    %dma_start3A_243 = tpu.memref_slice %arg3[%dma_start3A_241, %dma_start3A_242] : memref<2600000x16xf32, #tpu.memory_space<hbm>> -> memref<2600000x16xf32, #tpu.memory_space<hbm>>
    tpu.enqueue_indirect_dma source(%dma_start3A_243 : memref<2600000x16xf32, #tpu.memory_space<hbm>>) target(%arg8 : memref<1664x16xf32, #tpu.memory_space<vmem>>) offsets(%dma_start3A_240 : memref<1664xi32, #tpu.memory_space<vmem>>) semaphore(%arg10 : memref<!tpu.dma_semaphore, #tpu.memory_space<semaphore_mem>>)
    %dma_wait3A_244 = arith.constant 3328 : i32
    %dma_wait3A_245 = tpu.memref_slice %arg5[%dma_wait3A_244] : memref<13312xi32, #tpu.memory_space<vmem>> -> memref<1664xi32, #tpu.memory_space<vmem>>
    %dma_wait3A_246 = arith.constant 0 : i32
    %dma_wait3A_247 = arith.constant 0 : i32
    %dma_wait3A_248 = tpu.memref_slice %arg3[%dma_wait3A_246, %dma_wait3A_247] : memref<2600000x16xf32, #tpu.memory_space<hbm>> -> memref<2600000x16xf32, #tpu.memory_space<hbm>>
    tpu.wait_indirect_dma semaphore(%arg9 : memref<!tpu.dma_semaphore, #tpu.memory_space<semaphore_mem>>) src(%dma_wait3A_248 : memref<2600000x16xf32, #tpu.memory_space<hbm>>) dst(%arg7 : memref<1664x16xf32, #tpu.memory_space<vmem>>)
    %add3A_249 = arith.constant 128 : i32
    %add3A_250 = arith.addi %mul3A_2, %add3A_249 : i32
    %mul3A_251 = arith.constant 26 : i32
    %mul3A_252 = arith.muli %add3A_250, %mul3A_251 : i32
    %dma_start3A_253 = arith.constant 0 : i32
    %dma_start3A_254 = tpu.memref_slice %arg4[%mul3A_252, %dma_start3A_253] : memref<425984x16xf32, #tpu.memory_space<hbm>> -> memref<1664x16xf32, #tpu.memory_space<hbm>>
    %dma_start3A_255 = arith.constant 0 : i32
    %dma_start3A_256 = tpu.memref_slice %arg4[%mul3A_252, %dma_start3A_255] : memref<425984x16xf32, #tpu.memory_space<hbm>> -> memref<1664x16xf32, #tpu.memory_space<hbm>>
    tpu.enqueue_dma source(%arg7 : memref<1664x16xf32, #tpu.memory_space<vmem>>) target(%dma_start3A_256 : memref<1664x16xf32, #tpu.memory_space<hbm>>) target_semaphore(%arg11 : memref<!tpu.dma_semaphore, #tpu.memory_space<semaphore_mem>>)
    %dma_wait3A_257 = arith.constant 0 : i32
    %dma_wait3A_258 = tpu.memref_slice %arg4[%mul3A_252, %dma_wait3A_257] : memref<425984x16xf32, #tpu.memory_space<hbm>> -> memref<1664x16xf32, #tpu.memory_space<hbm>>
    %dma_wait3A_259 = arith.constant 0 : i32
    %dma_wait3A_260 = tpu.memref_slice %arg4[%mul3A_252, %dma_wait3A_259] : memref<425984x16xf32, #tpu.memory_space<hbm>> -> memref<1664x16xf32, #tpu.memory_space<hbm>>
    tpu.wait_dma2 semaphore(%arg11 : memref<!tpu.dma_semaphore, #tpu.memory_space<semaphore_mem>>) src(%arg7 : memref<1664x16xf32, #tpu.memory_space<vmem>>) dst(%dma_wait3A_260 : memref<1664x16xf32, #tpu.memory_space<hbm>>)
    %dma_start3A_261 = arith.constant 6656 : i32
    %dma_start3A_262 = tpu.memref_slice %arg5[%dma_start3A_261] : memref<13312xi32, #tpu.memory_space<vmem>> -> memref<1664xi32, #tpu.memory_space<vmem>>
    %dma_start3A_263 = arith.constant 0 : i32
    %dma_start3A_264 = arith.constant 0 : i32
    %dma_start3A_265 = tpu.memref_slice %arg3[%dma_start3A_263, %dma_start3A_264] : memref<2600000x16xf32, #tpu.memory_space<hbm>> -> memref<2600000x16xf32, #tpu.memory_space<hbm>>
    tpu.enqueue_indirect_dma source(%dma_start3A_265 : memref<2600000x16xf32, #tpu.memory_space<hbm>>) target(%arg7 : memref<1664x16xf32, #tpu.memory_space<vmem>>) offsets(%dma_start3A_262 : memref<1664xi32, #tpu.memory_space<vmem>>) semaphore(%arg9 : memref<!tpu.dma_semaphore, #tpu.memory_space<semaphore_mem>>)
    %dma_wait3A_266 = arith.constant 4992 : i32
    %dma_wait3A_267 = tpu.memref_slice %arg5[%dma_wait3A_266] : memref<13312xi32, #tpu.memory_space<vmem>> -> memref<1664xi32, #tpu.memory_space<vmem>>
    %dma_wait3A_268 = arith.constant 0 : i32
    %dma_wait3A_269 = arith.constant 0 : i32
    %dma_wait3A_270 = tpu.memref_slice %arg3[%dma_wait3A_268, %dma_wait3A_269] : memref<2600000x16xf32, #tpu.memory_space<hbm>> -> memref<2600000x16xf32, #tpu.memory_space<hbm>>
    tpu.wait_indirect_dma semaphore(%arg10 : memref<!tpu.dma_semaphore, #tpu.memory_space<semaphore_mem>>) src(%dma_wait3A_270 : memref<2600000x16xf32, #tpu.memory_space<hbm>>) dst(%arg8 : memref<1664x16xf32, #tpu.memory_space<vmem>>)
    %add3A_271 = arith.constant 192 : i32
    %add3A_272 = arith.addi %mul3A_2, %add3A_271 : i32
    %mul3A_273 = arith.constant 26 : i32
    %mul3A_274 = arith.muli %add3A_272, %mul3A_273 : i32
    %dma_start3A_275 = arith.constant 0 : i32
    %dma_start3A_276 = tpu.memref_slice %arg4[%mul3A_274, %dma_start3A_275] : memref<425984x16xf32, #tpu.memory_space<hbm>> -> memref<1664x16xf32, #tpu.memory_space<hbm>>
    %dma_start3A_277 = arith.constant 0 : i32
    %dma_start3A_278 = tpu.memref_slice %arg4[%mul3A_274, %dma_start3A_277] : memref<425984x16xf32, #tpu.memory_space<hbm>> -> memref<1664x16xf32, #tpu.memory_space<hbm>>
    tpu.enqueue_dma source(%arg8 : memref<1664x16xf32, #tpu.memory_space<vmem>>) target(%dma_start3A_278 : memref<1664x16xf32, #tpu.memory_space<hbm>>) target_semaphore(%arg12 : memref<!tpu.dma_semaphore, #tpu.memory_space<semaphore_mem>>)
    %dma_wait3A_279 = arith.constant 0 : i32
    %dma_wait3A_280 = tpu.memref_slice %arg4[%mul3A_274, %dma_wait3A_279] : memref<425984x16xf32, #tpu.memory_space<hbm>> -> memref<1664x16xf32, #tpu.memory_space<hbm>>
    %dma_wait3A_281 = arith.constant 0 : i32
    %dma_wait3A_282 = tpu.memref_slice %arg4[%mul3A_274, %dma_wait3A_281] : memref<425984x16xf32, #tpu.memory_space<hbm>> -> memref<1664x16xf32, #tpu.memory_space<hbm>>
    tpu.wait_dma2 semaphore(%arg12 : memref<!tpu.dma_semaphore, #tpu.memory_space<semaphore_mem>>) src(%arg8 : memref<1664x16xf32, #tpu.memory_space<vmem>>) dst(%dma_wait3A_282 : memref<1664x16xf32, #tpu.memory_space<hbm>>)
    %dma_start3A_283 = arith.constant 8320 : i32
    %dma_start3A_284 = tpu.memref_slice %arg5[%dma_start3A_283] : memref<13312xi32, #tpu.memory_space<vmem>> -> memref<1664xi32, #tpu.memory_space<vmem>>
    %dma_start3A_285 = arith.constant 0 : i32
    %dma_start3A_286 = arith.constant 0 : i32
    %dma_start3A_287 = tpu.memref_slice %arg3[%dma_start3A_285, %dma_start3A_286] : memref<2600000x16xf32, #tpu.memory_space<hbm>> -> memref<2600000x16xf32, #tpu.memory_space<hbm>>
    tpu.enqueue_indirect_dma source(%dma_start3A_287 : memref<2600000x16xf32, #tpu.memory_space<hbm>>) target(%arg8 : memref<1664x16xf32, #tpu.memory_space<vmem>>) offsets(%dma_start3A_284 : memref<1664xi32, #tpu.memory_space<vmem>>) semaphore(%arg10 : memref<!tpu.dma_semaphore, #tpu.memory_space<semaphore_mem>>)
    %dma_wait3A_288 = arith.constant 6656 : i32
    %dma_wait3A_289 = tpu.memref_slice %arg5[%dma_wait3A_288] : memref<13312xi32, #tpu.memory_space<vmem>> -> memref<1664xi32, #tpu.memory_space<vmem>>
    %dma_wait3A_290 = arith.constant 0 : i32
    %dma_wait3A_291 = arith.constant 0 : i32
    %dma_wait3A_292 = tpu.memref_slice %arg3[%dma_wait3A_290, %dma_wait3A_291] : memref<2600000x16xf32, #tpu.memory_space<hbm>> -> memref<2600000x16xf32, #tpu.memory_space<hbm>>
    tpu.wait_indirect_dma semaphore(%arg9 : memref<!tpu.dma_semaphore, #tpu.memory_space<semaphore_mem>>) src(%dma_wait3A_292 : memref<2600000x16xf32, #tpu.memory_space<hbm>>) dst(%arg7 : memref<1664x16xf32, #tpu.memory_space<vmem>>)
    %add3A_293 = arith.constant 256 : i32
    %add3A_294 = arith.addi %mul3A_2, %add3A_293 : i32
    %mul3A_295 = arith.constant 26 : i32
    %mul3A_296 = arith.muli %add3A_294, %mul3A_295 : i32
    %dma_start3A_297 = arith.constant 0 : i32
    %dma_start3A_298 = tpu.memref_slice %arg4[%mul3A_296, %dma_start3A_297] : memref<425984x16xf32, #tpu.memory_space<hbm>> -> memref<1664x16xf32, #tpu.memory_space<hbm>>
    %dma_start3A_299 = arith.constant 0 : i32
    %dma_start3A_300 = tpu.memref_slice %arg4[%mul3A_296, %dma_start3A_299] : memref<425984x16xf32, #tpu.memory_space<hbm>> -> memref<1664x16xf32, #tpu.memory_space<hbm>>
    tpu.enqueue_dma source(%arg7 : memref<1664x16xf32, #tpu.memory_space<vmem>>) target(%dma_start3A_300 : memref<1664x16xf32, #tpu.memory_space<hbm>>) target_semaphore(%arg11 : memref<!tpu.dma_semaphore, #tpu.memory_space<semaphore_mem>>)
    %dma_wait3A_301 = arith.constant 0 : i32
    %dma_wait3A_302 = tpu.memref_slice %arg4[%mul3A_296, %dma_wait3A_301] : memref<425984x16xf32, #tpu.memory_space<hbm>> -> memref<1664x16xf32, #tpu.memory_space<hbm>>
    %dma_wait3A_303 = arith.constant 0 : i32
    %dma_wait3A_304 = tpu.memref_slice %arg4[%mul3A_296, %dma_wait3A_303] : memref<425984x16xf32, #tpu.memory_space<hbm>> -> memref<1664x16xf32, #tpu.memory_space<hbm>>
    tpu.wait_dma2 semaphore(%arg11 : memref<!tpu.dma_semaphore, #tpu.memory_space<semaphore_mem>>) src(%arg7 : memref<1664x16xf32, #tpu.memory_space<vmem>>) dst(%dma_wait3A_304 : memref<1664x16xf32, #tpu.memory_space<hbm>>)
    %dma_start3A_305 = arith.constant 9984 : i32
    %dma_start3A_306 = tpu.memref_slice %arg5[%dma_start3A_305] : memref<13312xi32, #tpu.memory_space<vmem>> -> memref<1664xi32, #tpu.memory_space<vmem>>
    %dma_start3A_307 = arith.constant 0 : i32
    %dma_start3A_308 = arith.constant 0 : i32
    %dma_start3A_309 = tpu.memref_slice %arg3[%dma_start3A_307, %dma_start3A_308] : memref<2600000x16xf32, #tpu.memory_space<hbm>> -> memref<2600000x16xf32, #tpu.memory_space<hbm>>
    tpu.enqueue_indirect_dma source(%dma_start3A_309 : memref<2600000x16xf32, #tpu.memory_space<hbm>>) target(%arg7 : memref<1664x16xf32, #tpu.memory_space<vmem>>) offsets(%dma_start3A_306 : memref<1664xi32, #tpu.memory_space<vmem>>) semaphore(%arg9 : memref<!tpu.dma_semaphore, #tpu.memory_space<semaphore_mem>>)
    %dma_wait3A_310 = arith.constant 8320 : i32
    %dma_wait3A_311 = tpu.memref_slice %arg5[%dma_wait3A_310] : memref<13312xi32, #tpu.memory_space<vmem>> -> memref<1664xi32, #tpu.memory_space<vmem>>
    %dma_wait3A_312 = arith.constant 0 : i32
    %dma_wait3A_313 = arith.constant 0 : i32
    %dma_wait3A_314 = tpu.memref_slice %arg3[%dma_wait3A_312, %dma_wait3A_313] : memref<2600000x16xf32, #tpu.memory_space<hbm>> -> memref<2600000x16xf32, #tpu.memory_space<hbm>>
    tpu.wait_indirect_dma semaphore(%arg10 : memref<!tpu.dma_semaphore, #tpu.memory_space<semaphore_mem>>) src(%dma_wait3A_314 : memref<2600000x16xf32, #tpu.memory_space<hbm>>) dst(%arg8 : memref<1664x16xf32, #tpu.memory_space<vmem>>)
    %add3A_315 = arith.constant 320 : i32
    %add3A_316 = arith.addi %mul3A_2, %add3A_315 : i32
    %mul3A_317 = arith.constant 26 : i32
    %mul3A_318 = arith.muli %add3A_316, %mul3A_317 : i32
    %dma_start3A_319 = arith.constant 0 : i32
    %dma_start3A_320 = tpu.memref_slice %arg4[%mul3A_318, %dma_start3A_319] : memref<425984x16xf32, #tpu.memory_space<hbm>> -> memref<1664x16xf32, #tpu.memory_space<hbm>>
    %dma_start3A_321 = arith.constant 0 : i32
    %dma_start3A_322 = tpu.memref_slice %arg4[%mul3A_318, %dma_start3A_321] : memref<425984x16xf32, #tpu.memory_space<hbm>> -> memref<1664x16xf32, #tpu.memory_space<hbm>>
    tpu.enqueue_dma source(%arg8 : memref<1664x16xf32, #tpu.memory_space<vmem>>) target(%dma_start3A_322 : memref<1664x16xf32, #tpu.memory_space<hbm>>) target_semaphore(%arg12 : memref<!tpu.dma_semaphore, #tpu.memory_space<semaphore_mem>>)
    %dma_wait3A_323 = arith.constant 0 : i32
    %dma_wait3A_324 = tpu.memref_slice %arg4[%mul3A_318, %dma_wait3A_323] : memref<425984x16xf32, #tpu.memory_space<hbm>> -> memref<1664x16xf32, #tpu.memory_space<hbm>>
    %dma_wait3A_325 = arith.constant 0 : i32
    %dma_wait3A_326 = tpu.memref_slice %arg4[%mul3A_318, %dma_wait3A_325] : memref<425984x16xf32, #tpu.memory_space<hbm>> -> memref<1664x16xf32, #tpu.memory_space<hbm>>
    tpu.wait_dma2 semaphore(%arg12 : memref<!tpu.dma_semaphore, #tpu.memory_space<semaphore_mem>>) src(%arg8 : memref<1664x16xf32, #tpu.memory_space<vmem>>) dst(%dma_wait3A_326 : memref<1664x16xf32, #tpu.memory_space<hbm>>)
    %dma_start3A_327 = arith.constant 11648 : i32
    %dma_start3A_328 = tpu.memref_slice %arg5[%dma_start3A_327] : memref<13312xi32, #tpu.memory_space<vmem>> -> memref<1664xi32, #tpu.memory_space<vmem>>
    %dma_start3A_329 = arith.constant 0 : i32
    %dma_start3A_330 = arith.constant 0 : i32
    %dma_start3A_331 = tpu.memref_slice %arg3[%dma_start3A_329, %dma_start3A_330] : memref<2600000x16xf32, #tpu.memory_space<hbm>> -> memref<2600000x16xf32, #tpu.memory_space<hbm>>
    tpu.enqueue_indirect_dma source(%dma_start3A_331 : memref<2600000x16xf32, #tpu.memory_space<hbm>>) target(%arg8 : memref<1664x16xf32, #tpu.memory_space<vmem>>) offsets(%dma_start3A_328 : memref<1664xi32, #tpu.memory_space<vmem>>) semaphore(%arg10 : memref<!tpu.dma_semaphore, #tpu.memory_space<semaphore_mem>>)
    %dma_wait3A_332 = arith.constant 9984 : i32
    %dma_wait3A_333 = tpu.memref_slice %arg5[%dma_wait3A_332] : memref<13312xi32, #tpu.memory_space<vmem>> -> memref<1664xi32, #tpu.memory_space<vmem>>
    %dma_wait3A_334 = arith.constant 0 : i32
    %dma_wait3A_335 = arith.constant 0 : i32
    %dma_wait3A_336 = tpu.memref_slice %arg3[%dma_wait3A_334, %dma_wait3A_335] : memref<2600000x16xf32, #tpu.memory_space<hbm>> -> memref<2600000x16xf32, #tpu.memory_space<hbm>>
    tpu.wait_indirect_dma semaphore(%arg9 : memref<!tpu.dma_semaphore, #tpu.memory_space<semaphore_mem>>) src(%dma_wait3A_336 : memref<2600000x16xf32, #tpu.memory_space<hbm>>) dst(%arg7 : memref<1664x16xf32, #tpu.memory_space<vmem>>)
    %add3A_337 = arith.constant 384 : i32
    %add3A_338 = arith.addi %mul3A_2, %add3A_337 : i32
    %mul3A_339 = arith.constant 26 : i32
    %mul3A_340 = arith.muli %add3A_338, %mul3A_339 : i32
    %dma_start3A_341 = arith.constant 0 : i32
    %dma_start3A_342 = tpu.memref_slice %arg4[%mul3A_340, %dma_start3A_341] : memref<425984x16xf32, #tpu.memory_space<hbm>> -> memref<1664x16xf32, #tpu.memory_space<hbm>>
    %dma_start3A_343 = arith.constant 0 : i32
    %dma_start3A_344 = tpu.memref_slice %arg4[%mul3A_340, %dma_start3A_343] : memref<425984x16xf32, #tpu.memory_space<hbm>> -> memref<1664x16xf32, #tpu.memory_space<hbm>>
    tpu.enqueue_dma source(%arg7 : memref<1664x16xf32, #tpu.memory_space<vmem>>) target(%dma_start3A_344 : memref<1664x16xf32, #tpu.memory_space<hbm>>) target_semaphore(%arg11 : memref<!tpu.dma_semaphore, #tpu.memory_space<semaphore_mem>>)
    %dma_wait3A_345 = arith.constant 0 : i32
    %dma_wait3A_346 = tpu.memref_slice %arg4[%mul3A_340, %dma_wait3A_345] : memref<425984x16xf32, #tpu.memory_space<hbm>> -> memref<1664x16xf32, #tpu.memory_space<hbm>>
    %dma_wait3A_347 = arith.constant 0 : i32
    %dma_wait3A_348 = tpu.memref_slice %arg4[%mul3A_340, %dma_wait3A_347] : memref<425984x16xf32, #tpu.memory_space<hbm>> -> memref<1664x16xf32, #tpu.memory_space<hbm>>
    tpu.wait_dma2 semaphore(%arg11 : memref<!tpu.dma_semaphore, #tpu.memory_space<semaphore_mem>>) src(%arg7 : memref<1664x16xf32, #tpu.memory_space<vmem>>) dst(%dma_wait3A_348 : memref<1664x16xf32, #tpu.memory_space<hbm>>)
    %dma_wait3A_349 = arith.constant 11648 : i32
    %dma_wait3A_350 = tpu.memref_slice %arg5[%dma_wait3A_349] : memref<13312xi32, #tpu.memory_space<vmem>> -> memref<1664xi32, #tpu.memory_space<vmem>>
    %dma_wait3A_351 = arith.constant 0 : i32
    %dma_wait3A_352 = arith.constant 0 : i32
    %dma_wait3A_353 = tpu.memref_slice %arg3[%dma_wait3A_351, %dma_wait3A_352] : memref<2600000x16xf32, #tpu.memory_space<hbm>> -> memref<2600000x16xf32, #tpu.memory_space<hbm>>
    tpu.wait_indirect_dma semaphore(%arg10 : memref<!tpu.dma_semaphore, #tpu.memory_space<semaphore_mem>>) src(%dma_wait3A_353 : memref<2600000x16xf32, #tpu.memory_space<hbm>>) dst(%arg8 : memref<1664x16xf32, #tpu.memory_space<vmem>>)
    %add3A_354 = arith.constant 448 : i32
    %add3A_355 = arith.addi %mul3A_2, %add3A_354 : i32
    %mul3A_356 = arith.constant 26 : i32
    %mul3A_357 = arith.muli %add3A_355, %mul3A_356 : i32
    %dma_start3A_358 = arith.constant 0 : i32
    %dma_start3A_359 = tpu.memref_slice %arg4[%mul3A_357, %dma_start3A_358] : memref<425984x16xf32, #tpu.memory_space<hbm>> -> memref<1664x16xf32, #tpu.memory_space<hbm>>
    %dma_start3A_360 = arith.constant 0 : i32
    %dma_start3A_361 = tpu.memref_slice %arg4[%mul3A_357, %dma_start3A_360] : memref<425984x16xf32, #tpu.memory_space<hbm>> -> memref<1664x16xf32, #tpu.memory_space<hbm>>
    tpu.enqueue_dma source(%arg8 : memref<1664x16xf32, #tpu.memory_space<vmem>>) target(%dma_start3A_361 : memref<1664x16xf32, #tpu.memory_space<hbm>>) target_semaphore(%arg12 : memref<!tpu.dma_semaphore, #tpu.memory_space<semaphore_mem>>)
    %dma_wait3A_362 = arith.constant 0 : i32
    %dma_wait3A_363 = tpu.memref_slice %arg4[%mul3A_357, %dma_wait3A_362] : memref<425984x16xf32, #tpu.memory_space<hbm>> -> memref<1664x16xf32, #tpu.memory_space<hbm>>
    %dma_wait3A_364 = arith.constant 0 : i32
    %dma_wait3A_365 = tpu.memref_slice %arg4[%mul3A_357, %dma_wait3A_364] : memref<425984x16xf32, #tpu.memory_space<hbm>> -> memref<1664x16xf32, #tpu.memory_space<hbm>>
    tpu.wait_dma2 semaphore(%arg12 : memref<!tpu.dma_semaphore, #tpu.memory_space<semaphore_mem>>) src(%arg8 : memref<1664x16xf32, #tpu.memory_space<vmem>>) dst(%dma_wait3A_365 : memref<1664x16xf32, #tpu.memory_space<hbm>>)
    return
  }
}

</mosaic_0001>

<sc_bundles>
// kernel: kernel.3.cloned.1.call-start
scs
__scs_entry_jumppad:
0x0: {  	(pc) =	sbr.rel $0x88, $3  }
0x1: {  	(tag) =	ssettag $0x0;
	lr =	simm.s32 $0x1  }
0x2: {  	[smem:$0x3F9E] =	sst lr;
	_ =	strace $0xD0000000  }
0x3: {  	_ = 	snop  }
0x4: {  	_ = 	snop  }
0x5: {  	_ = 	snop  }
0x6: {  	_ = 	snop  }
0x7: {  	_ = 	snop  }
__scs_overlays_trampoline_lowered:
0x8: {  	[smem:$0x3FAD] =	sst s0  }
0x9: {  	[smem:$0x3FAE] =	sst s1  }
0xa: {  	[smem:$0x3FAF] =	sst s2  }
0xb: {  	[smem:$0x3FB0] =	sst s3  }
0xc: {  	[smem:$0x3FB1] =	sst s4  }
0xd: {  	[smem:$0x3FB2] =	sst s5  }
0xe: {  	[smem:$0x3FB3] =	sst s6  }
0xf: {  	[smem:$0x3FB4] =	sst s7  }
0x10: {  	[smem:$0x3FB5] =	sst s8  }
0x11: {  	[smem:$0x3FB6] =	sst s9;
	s0 =	simm.s32 @!p0 $0x0  }
0x12: {  	s1 =	sld [smem:$0x3F9C];
	s0 =	simm.s32 @p0 $0x1  }
0x13: {  	[smem:$0x3FB7] =	sst s0;
	s0 =	simm.s32 @!p1 $0x0  }
0x14: {  	s2 =	sld [smem:$0x3F9B];
	s0 =	simm.s32 @p1 $0x1  }
0x15: {  	[smem:$0x3FB8] =	sst s0;
	s0 =	simm.s32 @!p2 $0x0  }
0x16: {  	s3 =	sld [smem:$0x3FDB];
	s0 =	simm.s32 @p2 $0x1  }
0x17: {  	s4 =	simm.s32 $0x1BF5;
	[smem:$0x3FBA] =	sst s0  }
0x18: {  	s0 =	sld [smem:$0x3F9D];
	_ =	swait.ge [sflag:s4], $0x0  }
0x19: {  	s7 =	sld [smem:$0x3F9E]  }
0x1a: {  	s8 =	sadd.s32 $0xFFFFE003, lr  }
0x1b: {  	s9 =	sadd.s32 $0xFFFFFEF7, lr;
	s5 =	simm.s32 $0xFFFFFFFF;
	p2 =	slt.u32 s8, $0xFFFFF086  }
0x1c: {  	p1 =	slt.u32 s9, $0xF7A;
	s5 =	simm.s32 @!p2 $0x0  }
0x1d: {  	s5 =	simm.s32 @p1 $0x1;
	p0 =	seq.s32 s7, s2  }
0x1e: {  	s7 =	smul.u32 @!p0 $0xF7A, s2;
	p2 =	seq.s32 @!p0 s5, $0x0  }
0x1f: {  	s9 =	smul.u32 $0xF7A, s1;
	s8 =	simm.s32 @!p0 $0x1BF5;
	p2 =	por !p2, p0  }
0x20: {  	[sflag:s8] =	ssyncset.s32 @!p0 $0xFFFFF086;
	s6 =	sadd.s32 @!p0 s3, s7;
	s7 =	simm.s32 @!p0 $0x108  }
0x21: {  	s3 =	sadd.s32 s3, s9;
	s6 =	sadd.s32 @!p0 $0x88, s6;
	s7 =	simm.s32 @p2 $0x1082  }
0x22: {  	[simem:s7], [sflag:s8] =	dma.local @!p0 [hbm:s6], $0xF7A  }
0x23: {  	s9 =	sor.u32 $0xD0000000, s2;
	s6 =	simm.s32 $0x108;
	_ =	swait.ge @!p0 [sflag:s8], $0x0  }
0x24: {  	s3 =	sadd.s32 $0x88, s3;
	s6 =	simm.s32 @!p1 $0x1082;
	[sflag:s4] =	ssyncset.s32 $0xFFFFF086  }
0x25: {  	[simem:s6], [sflag:s4] =	dma.local [hbm:s3], $0xF7A  }
0x26: {  	[smem:$0x3F9E] =	sst s1;
	(tag) =	ssettag s2;
	_ =	strace s9  }
0x27: {  	s1 =	sld [smem:$0x3FAE]  }
0x28: {  	s2 =	sld [smem:$0x3FAF]  }
0x29: {  	s4 =	sld [smem:$0x3FB1]  }
0x2a: {  	p0 =	seq.s32 s5, $0x0;
	s5 =	sld [smem:$0x3FB2]  }
0x2b: {  	s6 =	sld [smem:$0x3FB3]  }
0x2c: {  	s7 =	sld [smem:$0x3FB4]  }
0x2d: {  	s3 =	simm.s32 $0x108;
	s8 =	sld [smem:$0x3FB5]  }
0x2e: {  	s3 =	simm.s32 @!p0 $0x1082;
	s9 =	sld [smem:$0x3FB6]  }
0x2f: {  	lr =	sadd.s32 s0, s3;
	s0 =	sld [smem:$0x3FAD]  }
0x30: {  	s3 =	sld [smem:$0x3FB0]  }
0x31: {  	[smem:$0x3FB9] =	sst s10  }
0x32: {  	s10 =	sld [smem:$0x3FB7];
	_ =	sdelay $0x3  }
0x33: {  	p0 =	seq.s32 s10, $0x1;
	s10 =	sld [smem:$0x3FB9];
	_ =	sdelay $0x3  }
0x34: {  	[smem:$0x3FB9] =	sst s10  }
0x35: {  	s10 =	sld [smem:$0x3FB8];
	_ =	sdelay $0x3  }
0x36: {  	p1 =	seq.s32 s10, $0x1;
	s10 =	sld [smem:$0x3FB9];
	_ =	sdelay $0x3  }
0x37: {  	[smem:$0x3FB9] =	sst s10  }
0x38: {  	s10 =	sld [smem:$0x3FBA]  }
0x39: {  	_ = 	snop;
	(pc) =	sbr.ind lr, $3  }
0x3a: {  	_ = 	snop  }
0x3b: {  	_ = 	snop  }
0x3c: {  	p2 =	seq.s32 s10, $0x1;
	s10 =	sld [smem:$0x3FB9]  }
0x3d: {  	_ =	shalt  }
0x3e: {  	_ =	shalt  }
0x3f: {  	_ =	shalt  }
0x40: {  	_ =	shalt  }
0x41: {  	_ =	shalt  }
0x42: {  	_ =	shalt  }
0x43: {  	_ =	shalt  }
0x44: {  	_ =	shalt  }
0x45: {  	_ =	shalt  }
0x46: {  	_ =	shalt  }
0x47: {  	_ =	shalt  }
0x48: {  	_ =	shalt  }
0x49: {  	_ =	shalt  }
0x4a: {  	_ =	shalt  }
0x4b: {  	_ =	shalt  }
0x4c: {  	_ =	shalt  }
0x4d: {  	_ =	shalt  }
0x4e: {  	_ =	shalt  }
0x4f: {  	_ =	shalt  }
0x50: {  	_ =	shalt  }
0x51: {  	_ =	shalt  }
0x52: {  	_ =	shalt  }
0x53: {  	_ =	shalt  }
0x54: {  	_ =	shalt  }
0x55: {  	_ =	shalt  }
0x56: {  	_ =	shalt  }
0x57: {  	_ =	shalt  }
0x58: {  	_ =	shalt  }
0x59: {  	_ =	shalt  }
0x5a: {  	_ =	shalt  }
0x5b: {  	_ =	shalt  }
0x5c: {  	_ =	shalt  }
0x5d: {  	_ =	shalt  }
0x5e: {  	_ =	shalt  }
0x5f: {  	_ =	shalt  }
0x60: {  	_ =	shalt  }
0x61: {  	_ =	shalt  }
0x62: {  	_ =	shalt  }
0x63: {  	_ =	shalt  }
0x64: {  	_ =	shalt  }
0x65: {  	_ =	shalt  }
0x66: {  	_ =	shalt  }
0x67: {  	_ =	shalt  }
0x68: {  	_ =	shalt  }
0x69: {  	_ =	shalt  }
0x6a: {  	_ =	shalt  }
0x6b: {  	_ =	shalt  }
0x6c: {  	_ =	shalt  }
0x6d: {  	_ =	shalt  }
0x6e: {  	_ =	shalt  }
0x6f: {  	_ =	shalt  }
0x70: {  	_ =	shalt  }
0x71: {  	_ =	shalt  }
0x72: {  	_ =	shalt  }
0x73: {  	_ =	shalt  }
0x74: {  	_ =	shalt  }
0x75: {  	_ =	shalt  }
0x76: {  	_ =	shalt  }
0x77: {  	_ =	shalt  }
0x78: {  	_ =	shalt  }
0x79: {  	_ =	shalt  }
0x7a: {  	_ =	shalt  }
0x7b: {  	_ =	shalt  }
0x7c: {  	_ =	shalt  }
0x7d: {  	_ =	shalt  }
0x7e: {  	_ =	shalt  }
0x7f: {  	_ =	shalt  }
0x80: {  	_ =	shalt  }
0x81: {  	_ =	shalt  }
0x82: {  	_ =	shalt  }
0x83: {  	_ =	shalt  }
0x84: {  	_ =	shalt  }
0x85: {  	_ =	shalt  }
0x86: {  	_ =	shalt  }
0x87: {  	_ =	shalt  }
.Lfunc_end0:
.L_simem_size_0:
called_computation_lowered:
.L_overlay_start_0:
0x88: {  	s2 =	sld [smem:$0x3FD9]  }
0x89: {  	s3 =	sld [smem:$0x3FFE];
	_ =	sdelay $0x1  }
0x8a: {  	s1 =	srdreg.scid  }
0x8b: {  	s0 =	sand.u32 $0x1, s1  }
0x8c: {  	s17 =	sshll.u32 s0, $0xA;
	s2 =	sadd.s32 s3, s2  }
0x8d: {  	s2 =	sadd.s32 s2, s17  }
0x8e: {  	[smem:$0x3FC5] =	sst s2  }
0x8f: {  	_ = 	snop  }
0x90: {  	s2 =	sld [smem:$0x3FD0];
	(tm) =	ssettm $0x1  }
0x91: {  	s18 =	sld [smem:$0x3FFB];
	_ =	sdelay $0x3  }
0x92: {  	_ =	strace s18  }
0x93: {  	s3 =	sld [smem:$0x3FFC];
	_ =	sdelay $0x3  }
0x94: {  	_ =	strace s3  }
0x95: {  	s3 =	sld [smem:$0x3FFD];
	_ =	sdelay $0x3  }
0x96: {  	_ =	strace s3  }
0x97: {  	_ =	strace $0x8FFFFFFF  }
0x98: {  	s19 =	sld [smem:$0x3FDB];
	_ =	sdelay $0x1  }
0x99: {  	s4 =	simm.s32 $_scs_section_size  }
0x9a: {  	s5 =	simm.s32 $_size__tile_overlayer_lowered;
	s6 =	simm.s32 $_tile_overlayer_lowered  }
0x9b: {  	s22 =	simm.s32 $0x1BFF;
	s21 =	sshll.u32 s6, $0x1;
	s3 =	sadd.s32 s4, s19  }
0x9c: {  	s7 =	simm.s32 $0x0;
	s20 =	sshll.u32 s5, $0x1;
	s5 =	sadd.s32 s21, s3  }
0x9d: {  	[timem:s7], [sflag:s22] =	dma.local [hbm:s5], s20  }
0x9e: {  	_ =	swait.ge [sflag:s22], s20  }
0x9f: {  	s4 =	ssub.s32 $0x0, s20;
	[sflag:s22] =	ssyncset.done $0x0  }
0xa0: {  	[sflag:s22] =	ssyncadd.s32 s4;
	_ =	sdelay $0x1  }
0xa1: {  	s23 =	simm.s32 $0x1B8B  }
0xa2: {  	_ =	swait.ge [sflag:s23], $0x1  }
0xa3: {  	[sflag:s23] =	ssyncset.done $0x0  }
0xa4: {  	s25 =	simm.s32 $0x1B8E;
	s24 =	sld [smem:$0x3FFE];
	[sflag:s23] =	ssyncadd.s32 $0xFFFFFFFF  }
0xa5: {  	s26 =	simm.s32 $execute0_lowered;
	[smem:$0x3FD2] =	sst s25  }
0xa6: {  	s5 =	sshll.u32 s26, $0x1;
	_ =	strace $0x80000046;
	[dreg:$0x1] =	wrdreg $0xFFFFFFFF  }
0xa7: {  	s28 =	simm.s32 $_size_execute0_lowered;
	s3 =	sadd.s32 s3, s5;
	[dreg:$0x0] =	wrdreg $0x0  }
0xa8: {  	s5 =	sshll.u32 s28, $0x1;
	[dreg:$0x2] =	wrdreg s3  }
0xa9: {  	[dreg:$0x3] =	wrdreg s5  }
0xaa: {  	[dreg:$0x4] =	wrdreg $0xC0  }
0xab: {  	_ =	task [dreg:s7], $0x5FFFF  }
0xac: {  	[dreg:$0x1] =	wrdreg $0xFFFFFFFF  }
0xad: {  	[dreg:$0x0] =	wrdreg $0x60  }
0xae: {  	[dreg:$0x2] =	wrdreg s24  }
0xaf: {  	[dreg:$0x3] =	wrdreg s2  }
0xb0: {  	[dreg:$0x4] =	wrdreg $0x9  }
0xb1: {  	_ =	task.clear_ibuf [dreg:s7], $0x5FFFF;
	_ =	strace $0x90000046  }
0xb2: {  	s29 =	simm.s32 $0x9;
	_ =	strace $0x80000048  }
0xb3: {  	_ =	swait.ge [sflag:s29], $0x1  }
0xb4: {  	[sflag:s29] =	ssyncadd.s32 $0xFFFFFFFF  }
0xb5: {  	_ =	strace $0x90000048  }
0xb6: {  	_ =	sfence  }
0xb7: {  	s30 =	sld [smem:$0x0];
	_ =	sdelay $0x2  }
0xb8: {  	s31 =	sshll.u32 s1, $0xD;
	s1 =	sshrl.u32 s1, $0x2  }
0xb9: {  	s3 =	sand.u32 $0x4000, s31;
	s1 =	sadd.s32 s1, s30  }
0xba: {  	s0 =	sor.u32 s3, s0;
	s1 =	sshll.u32 s1, $0x11  }
0xbb: {  	s0 =	sor.u32 s1, s0  }
0xbc: {  	s0 =	sadd.s32 $0x8F2B, s0  }
0xbd: {  	[sflag:s0] =	ssyncadd.remote.s32 $0x1  }
0xbe: {  	_ =	sfence.sel $0xFFFF  }
0xbf: {  	[dreg:$0x0] =	wrdreg $0xFFFFFFFF;
	(pc) =	sbr.abs _section_cstart, $3  }
0xc0: {  	[dreg:$0x1] =	wrdreg $0xFFFFFFFF  }
0xc1: {  	_ =	task.clear_ibuf [dreg:s7], $0x2FFFF;
	_ =	strace $0x9FFFFFFF  }
0xc2: {  	(tm) =	ssettm $0x7FFFFFFF  }
0xc3: {  	_ =	shalt  }
tec
execute0_lowered:
.L_overlay_start_1:
0x0: {  	(tag) =	ssettag $0x1  }
0x1: {  	vm14 =	vcmask $0x300;
	v0 =	vimm.s32 $0x7A120  }
0x2: {  	vm13 =	vcmask $0x704;
	vm12 =	vcmask $0xB08;
	vm11 =	vcmask $0xF0C  }
0x3: {  	vm10 =	vcmask $0x1310;
	vm9 =	vcmask $0x1714;
	vm8 =	vcmask $0x1B18  }
0x4: {  	vm7 =	vcmask $0x1F1C;
	vm6 =	vcmask $0x2320;
	vm5 =	vcmask $0x2724  }
0x5: {  	vm4 =	vcmask $0x2B28;
	vm3 =	vcmask $0x2F2C;
	vm2 =	vcmask $0x3330  }
0x6: {  	v1 =	vlaneseq.u32;
	vm1 =	vcmask $0x3734;
	vm0 =	vcmask $0x3B38  }
0x7: {  	v3 =	vimm.s32 $0x10C8E0;
	v4 =	vimm.s32 $0x186A0;
	v5 =	vimm.s32 $0xAAE60  }
0x8: {  	v7 =	vimm.s32 $0x13D620;
	v8 =	vimm.s32 $0x493E0;
	v9 =	vimm.s32 $0xDBBA0  }
0x9: {  	v0 =	vsel vm14, $0x186A00, v0;
	v3 =	vsel vm14, $0x2191C0, v3;
	v4 =	vsel vm14, $0x124F80, v4  }
0xa: {  	v5 =	vsel vm14, $0x1B7740, v5;
	v7 =	vsel vm14, $0x249F00, v7;
	v8 =	vsel vm14, $0x155CC0, v8  }
0xb: {  	v9 =	vsel vm14, $0x1E8480, v9;
	v0 =	vsel vm13, $0x19F0A0, v0;
	v3 =	vsel vm13, $0x231860, v3  }
0xc: {  	v4 =	vsel vm13, $0x13D620, v4;
	v5 =	vsel vm13, $0x1CFDE0, v5;
	v7 =	vsel vm13, $0x2625A0, v7  }
0xd: {  	v8 =	vsel vm13, $0x16E360, v8;
	v9 =	vsel vm13, $0x200B20, v9;
	v0 =	vsel vm12, $0x1B7740, v0  }
0xe: {  	v3 =	vsel vm12, $0x249F00, v3;
	v4 =	vsel vm12, $0x155CC0, v4;
	v5 =	vsel vm12, $0x1E8480, v5  }
0xf: {  	v7 =	vsel vm12, $0x0, v7;
	v8 =	vsel vm12, $0x186A00, v8;
	v9 =	vsel vm12, $0x2191C0, v9  }
0x10: {  	v0 =	vsel vm11, $0x1CFDE0, v0;
	v3 =	vsel vm11, $0x2625A0, v3;
	v4 =	vsel vm11, $0x16E360, v4  }
0x11: {  	v5 =	vsel vm11, $0x200B20, v5;
	v7 =	vsel vm11, $0x186A0, v7;
	v8 =	vsel vm11, $0x19F0A0, v8  }
0x12: {  	v9 =	vsel vm11, $0x231860, v9;
	v0 =	vsel vm10, $0x1E8480, v0;
	v3 =	vsel vm10, $0x0, v3  }
0x13: {  	v4 =	vsel vm10, $0x186A00, v4;
	v5 =	vsel vm10, $0x2191C0, v5;
	v7 =	vsel vm10, $0x30D40, v7  }
0x14: {  	v8 =	vsel vm10, $0x1B7740, v8;
	v9 =	vsel vm10, $0x249F00, v9;
	v0 =	vsel vm9, $0x200B20, v0  }
0x15: {  	v3 =	vsel vm9, $0x186A0, v3;
	v4 =	vsel vm9, $0x19F0A0, v4;
	v5 =	vsel vm9, $0x231860, v5  }
0x16: {  	v7 =	vsel vm9, $0x493E0, v7;
	v8 =	vsel vm9, $0x1CFDE0, v8;
	v9 =	vsel vm9, $0x2625A0, v9  }
0x17: {  	v0 =	vsel vm8, $0x2191C0, v0;
	v3 =	vsel vm8, $0x30D40, v3;
	v4 =	vsel vm8, $0x1B7740, v4  }
0x18: {  	v5 =	vsel vm8, $0x249F00, v5;
	v7 =	vsel vm8, $0x61A80, v7;
	v8 =	vsel vm8, $0x1E8480, v8  }
0x19: {  	v9 =	vsel vm8, $0x0, v9;
	v0 =	vsel vm7, $0x231860, v0;
	v3 =	vsel vm7, $0x493E0, v3  }
0x1a: {  	v4 =	vsel vm7, $0x1CFDE0, v4;
	v5 =	vsel vm7, $0x2625A0, v5;
	v7 =	vsel vm7, $0x7A120, v7  }
0x1b: {  	v8 =	vsel vm7, $0x200B20, v8;
	v9 =	vsel vm7, $0x186A0, v9;
	v0 =	vsel vm6, $0x249F00, v0  }
0x1c: {  	v3 =	vsel vm6, $0x61A80, v3;
	v4 =	vsel vm6, $0x1E8480, v4;
	v5 =	vsel vm6, $0x0, v5  }
0x1d: {  	s4 =	rddreg [dreg:$0x0];
	v7 =	vsel vm6, $0x927C0, v7;
	v8 =	vsel vm6, $0x2191C0, v8;
	v9 =	vsel vm6, $0x30D40, v9  }
0x1e: {  	s10 =	rddreg [dreg:$0x1];
	v0 =	vsel vm5, $0x2625A0, v0;
	v3 =	vsel vm5, $0x7A120, v3;
	v4 =	vsel vm5, $0x200B20, v4  }
0x1f: {  	s0 =	rddreg [dreg:$0x2];
	v5 =	vsel vm5, $0x186A0, v5;
	v7 =	vsel vm5, $0xAAE60, v7;
	v8 =	vsel vm5, $0x231860, v8  }
0x20: {  	s1 =	simm.s32 $0x0;
	s3 =	srdreg.scid;
	s15 =	simm.s32 $0x680;
	v9 =	vsel vm5, $0x493E0, v9;
	v0 =	vsel vm4, $0x0, v0;
	v3 =	vsel vm4, $0x927C0, v3  }
0x21: {  	s2 =	stileid.u32;
	s16 =	simm.s32 $0x34D0;
	s17 =	simm.s32 $0x9CD0;
	v4 =	vsel vm4, $0x2191C0, v4;
	v5 =	vsel vm4, $0x30D40, v5;
	v7 =	vsel vm4, $0xC3500, v7  }
0x22: {  	s14 =	simm.s32 $0x1;
	s19 =	simm.s32 $0xD00;
	s22 =	simm.s32 $0x1380;
	v8 =	vsel vm4, $0x249F00, v8;
	v9 =	vsel vm4, $0x61A80, v9;
	v0 =	vsel vm3, $0x186A0, v0  }
0x23: {  	s18 =	simm.s32 $0x3;
	s23 =	simm.s32 $0x1A00;
	s24 =	simm.s32 $0x2080;
	v3 =	vsel vm3, $0xAAE60, v3;
	v4 =	vsel vm3, $0x231860, v4;
	v5 =	vsel vm3, $0x493E0, v5  }
0x24: {  	s20 =	simm.s32 $0x2;
	s25 =	simm.s32 $0x2700;
	s26 =	simm.s32 $0x2D80;
	v7 =	vsel vm3, $0xDBBA0, v7;
	v8 =	vsel vm3, $0x2625A0, v8;
	v9 =	vsel vm3, $0x7A120, v9  }
0x25: {  	[smem:$0x7FF] =	sst s1;
	s5 =	sand.u32 $0x1, s3;
	s6 =	sshll.u32 s2, $0x1;
	v2 =	vsel vm2, $0x30D40, v0;
	v0 =	vmul.u32 $0x186A0, v1;
	v3 =	vsel vm2, $0xC3500, v3  }
0x26: {  	s21 =	simm.s32 $0x4;
	s3 =	sadd.s32 $0x27ACC00, s4;
	s6 =	sor.u32 s5, s6;
	v4 =	vsel vm2, $0x249F00, v4;
	v6 =	vsel vm2, $0x61A80, v5;
	v7 =	vsel vm2, $0xF4240, v7  }
0x27: {  	_ =	strace $0x80000047;
	s31 =	ssub.s32 $0x2, s5;
	s7 =	smul.u32 $0x34000, s6;
	v8 =	vsel vm2, $0x0, v8;
	v11 =	vsel vm2, $0x927C0, v9;
	v1 =	vsel vm1, $0x493E0, v2  }
0x28: {  	s28 =	simm.s32 $0x0;
	s8 =	smul.u32 $0x680, s6;
	s9 =	sshrl.u32 s31, $0x1;
	v3 =	vsel vm1, $0xDBBA0, v3;
	v4 =	vsel vm1, $0x2625A0, v4;
	v6 =	vsel vm1, $0x7A120, v6  }
0x29: {  	s11 =	smul.u32 $0x6800, s6;
	s13 =	ssub.s32 s31, s9;
	s7 =	sshrl.u32 s7, $0x3;
	v7 =	vsel vm1, $0x10C8E0, v7;
	v10 =	vsel vm1, $0x186A0, v8;
	v11 =	vsel vm1, $0xAAE60, v11  }
0x2a: {  	s4 =	sadd.s32 s8, s4;
	s13 =	smax.u32 s13, $0x1;
	s12 =	sadd.s32 s10, s7;
	v1 =	vsel vm0, $0x61A80, v1;
	v2 =	vadd.s32 $0x927C0, v0;
	v3 =	vsel vm0, $0xF4240, v3  }
0x2b: {  	s4 =	sadd.s32 $0x800, s4;
	s5 =	sadd.s32 $0xD00, s12;
	s6 =	sadd.s32 $0x1A00, s12;
	v4 =	vsel vm0, $0x0, v4;
	v5 =	vadd.s32 $0x30D40, v0;
	v6 =	vsel vm0, $0x927C0, v6  }
0x2c: {  	s10 =	sadd.s32 s10, s11;
	s7 =	sadd.s32 $0x2700, s12;
	s8 =	sadd.s32 $0x3400, s12;
	v7 =	vsel vm0, $0x124F80, v7;
	v8 =	vadd.s32 $0xC3500, v0;
	v9 =	vsel vm0, $0x30D40, v10  }
0x2d: {  	s9 =	sadd.s32 $0x4100, s12;
	s11 =	sadd.s32 $0x4E00, s12;
	s12 =	sadd.s32 $0x5B00, s12;
	v10 =	vadd.s32 $0x61A80, v0;
	v11 =	vsel vm0, $0xC3500, v11;
	v12 =	vadd.s32 $0xF4240, v0  }
.LBB2_1:
0x2e: {  	[tilespmem:s1], [sflag:$0x1] =	stream.linear.gather [hbm4b:s4+s1], $0x3400, $0x38;
	[tilespmem:$0x104D0] =	vst v63  }
0x2f: {  	[tilespmem:$0x3400] =	vst v0  }
0x30: {  	[tilespmem:$0x3410] =	vst v1  }
0x31: {  	[tilespmem:$0x3420] =	vst v2  }
0x32: {  	[tilespmem:$0x3430] =	vst v3  }
0x33: {  	[tilespmem:$0x3440] =	vst v4  }
0x34: {  	[tilespmem:$0x3450] =	vst v5  }
0x35: {  	[tilespmem:$0x3460] =	vst v6  }
0x36: {  	[tilespmem:$0x3470] =	vst v8  }
0x37: {  	[tilespmem:$0x3480] =	vst v7  }
0x38: {  	[tilespmem:$0x3490] =	vst v9  }
0x39: {  	[tilespmem:$0x34A0] =	vst v10  }
0x3a: {  	[tilespmem:$0x34B0] =	vst v11  }
0x3b: {  	[tilespmem:$0x34C0] =	vst v12  }
0x3c: {  	_ =	swait.ge [sflag:s14], $0x3400  }
0x3d: {  	[sflag:s14] =	ssyncset.done $0x0  }
0x3e: {  	s29 =	simm.s32 $0x0;
	[sflag:s14] =	ssyncadd.s32 $0xFFFFCC00  }
0x3f: {  	s30 =	simm.s32 $0x340;
	v13 =	vld [tilespmem:s29+$0x0]  }
.LBB2_2:
0x40: {  	p0 =	sne.s32 s30, $0xCCC0;
	v14 =	vld [tilespmem:$0x3400];
	_ =	sdelay $0x4  }
0x41: {  	v13 =	vadd.s32 v13, v14  }
0x42: {  	[tilespmem:s29+$0x0] =	vst v13;
	v13 =	vld [tilespmem:s29+$0x10]  }
0x43: {  	v14 =	vld [tilespmem:$0x3410];
	_ =	sdelay $0x4  }
0x44: {  	v13 =	vadd.s32 v13, v14  }
0x45: {  	[tilespmem:s29+$0x10] =	vst v13;
	v13 =	vld [tilespmem:s29+$0x20]  }
0x46: {  	v14 =	vld [tilespmem:$0x3420];
	_ =	sdelay $0x4  }
0x47: {  	v13 =	vadd.s32 v13, v14  }
0x48: {  	[tilespmem:s29+$0x20] =	vst v13;
	v13 =	vld [tilespmem:s29+$0x30]  }
0x49: {  	v14 =	vld [tilespmem:$0x3430];
	_ =	sdelay $0x4  }
0x4a: {  	v13 =	vadd.s32 v13, v14  }
0x4b: {  	[tilespmem:s29+$0x30] =	vst v13;
	v13 =	vld [tilespmem:s29+$0x40]  }
0x4c: {  	v14 =	vld [tilespmem:$0x3440];
	_ =	sdelay $0x4  }
0x4d: {  	v13 =	vadd.s32 v13, v14  }
0x4e: {  	[tilespmem:s29+$0x40] =	vst v13;
	v13 =	vld [tilespmem:s29+$0x50]  }
0x4f: {  	v14 =	vld [tilespmem:$0x3450];
	_ =	sdelay $0x4  }
0x50: {  	v13 =	vadd.s32 v13, v14  }
0x51: {  	[tilespmem:s29+$0x50] =	vst v13;
	v13 =	vld [tilespmem:s29+$0x60]  }
0x52: {  	v14 =	vld [tilespmem:$0x3460];
	_ =	sdelay $0x4  }
0x53: {  	v13 =	vadd.s32 v13, v14  }
0x54: {  	[tilespmem:s29+$0x60] =	vst v13;
	v13 =	vld [tilespmem:s29+$0x70]  }
0x55: {  	v14 =	vld [tilespmem:$0x3470];
	_ =	sdelay $0x4  }
0x56: {  	v13 =	vadd.s32 v13, v14  }
0x57: {  	[tilespmem:s29+$0x70] =	vst v13;
	v13 =	vld [tilespmem:s29+$0x80]  }
0x58: {  	v14 =	vld [tilespmem:$0x3480];
	_ =	sdelay $0x4  }
0x59: {  	v13 =	vadd.s32 v13, v14  }
0x5a: {  	[tilespmem:s29+$0x80] =	vst v13;
	v13 =	vld [tilespmem:s29+$0x90]  }
0x5b: {  	v14 =	vld [tilespmem:$0x3490];
	_ =	sdelay $0x4  }
0x5c: {  	v13 =	vadd.s32 v13, v14  }
0x5d: {  	[tilespmem:s29+$0x90] =	vst v13;
	v13 =	vld [tilespmem:s29+$0xA0]  }
0x5e: {  	v14 =	vld [tilespmem:$0x34A0];
	_ =	sdelay $0x4  }
0x5f: {  	v13 =	vadd.s32 v13, v14  }
0x60: {  	[tilespmem:s29+$0xA0] =	vst v13;
	v13 =	vld [tilespmem:s29+$0xB0]  }
0x61: {  	v14 =	vld [tilespmem:$0x34B0];
	_ =	sdelay $0x4  }
0x62: {  	v13 =	vadd.s32 v13, v14  }
0x63: {  	[tilespmem:s29+$0xB0] =	vst v13;
	v13 =	vld [tilespmem:s29+$0xC0]  }
0x64: {  	v14 =	vld [tilespmem:$0x34C0];
	_ =	sdelay $0x1  }
.Ltmp0:
0x65: {  	(pc) =	sbr.rel @p0 .LBB2_2-.Ltmp0, $3  }
0x66: {  	_ =	sdelay $0x1  }
0x67: {  	s31 =	sshra.s32 s30, $0x2;
	v14 =	vadd.s32 v13, v14  }
0x68: {  	s30 =	sadd.s32 $0x340, s30;
	v13 =	vld [tilespmem:s31+$0x0];
	[tilespmem:s29+$0xC0] =	vst v14;
	s29 =	smov.u32 s31  }
0x69: {  	v14 =	vld [tilespmem:$0x3400];
	_ =	sdelay $0x4  }
0x6a: {  	v13 =	vadd.s32 v13, v14  }
0x6b: {  	[tilespmem:s29+$0x0] =	vst v13;
	v13 =	vld [tilespmem:s29+$0x10]  }
0x6c: {  	v14 =	vld [tilespmem:$0x3410];
	_ =	sdelay $0x4  }
0x6d: {  	v13 =	vadd.s32 v13, v14  }
0x6e: {  	[tilespmem:s29+$0x10] =	vst v13;
	v13 =	vld [tilespmem:s29+$0x20]  }
0x6f: {  	v14 =	vld [tilespmem:$0x3420];
	_ =	sdelay $0x4  }
0x70: {  	v13 =	vadd.s32 v13, v14  }
0x71: {  	[tilespmem:s29+$0x20] =	vst v13;
	v13 =	vld [tilespmem:s29+$0x30]  }
0x72: {  	v14 =	vld [tilespmem:$0x3430];
	_ =	sdelay $0x4  }
0x73: {  	v13 =	vadd.s32 v13, v14  }
0x74: {  	[tilespmem:s29+$0x30] =	vst v13;
	v13 =	vld [tilespmem:s29+$0x40]  }
0x75: {  	v14 =	vld [tilespmem:$0x3440];
	_ =	sdelay $0x4  }
0x76: {  	v13 =	vadd.s32 v13, v14  }
0x77: {  	[tilespmem:s29+$0x40] =	vst v13;
	v13 =	vld [tilespmem:s29+$0x50]  }
0x78: {  	v14 =	vld [tilespmem:$0x3450];
	_ =	sdelay $0x4  }
0x79: {  	v13 =	vadd.s32 v13, v14  }
0x7a: {  	[tilespmem:s29+$0x50] =	vst v13;
	v13 =	vld [tilespmem:s29+$0x60]  }
0x7b: {  	v14 =	vld [tilespmem:$0x3460];
	_ =	sdelay $0x4  }
0x7c: {  	v13 =	vadd.s32 v13, v14  }
0x7d: {  	[tilespmem:s29+$0x60] =	vst v13;
	v13 =	vld [tilespmem:s29+$0x70]  }
0x7e: {  	v14 =	vld [tilespmem:$0x3470];
	_ =	sdelay $0x4  }
0x7f: {  	v13 =	vadd.s32 v13, v14  }
0x80: {  	[tilespmem:s29+$0x70] =	vst v13;
	v13 =	vld [tilespmem:s29+$0x80]  }
0x81: {  	v14 =	vld [tilespmem:$0x3480];
	_ =	sdelay $0x4  }
0x82: {  	v13 =	vadd.s32 v13, v14  }
0x83: {  	[tilespmem:s29+$0x80] =	vst v13;
	v13 =	vld [tilespmem:s29+$0x90]  }
0x84: {  	v14 =	vld [tilespmem:$0x3490];
	_ =	sdelay $0x4  }
0x85: {  	v13 =	vadd.s32 v13, v14  }
0x86: {  	[tilespmem:s29+$0x90] =	vst v13;
	v13 =	vld [tilespmem:s29+$0xA0]  }
0x87: {  	v14 =	vld [tilespmem:$0x34A0];
	_ =	sdelay $0x4  }
0x88: {  	v13 =	vadd.s32 v13, v14  }
0x89: {  	[tilespmem:s29+$0xA0] =	vst v13;
	v13 =	vld [tilespmem:s29+$0xB0]  }
0x8a: {  	v14 =	vld [tilespmem:$0x34B0];
	_ =	sdelay $0x4  }
0x8b: {  	v13 =	vadd.s32 v13, v14  }
0x8c: {  	[tilespmem:s29+$0xB0] =	vst v13;
	v13 =	vld [tilespmem:s29+$0xC0]  }
0x8d: {  	v14 =	vld [tilespmem:$0x34C0];
	_ =	sdelay $0x4  }
0x8e: {  	v13 =	vadd.s32 v13, v14  }
0x8f: {  	[tilespmem:s29+$0xC0] =	vst v13  }
0x90: {  	[tilespmem:s16], [sflag:$0x1] =	stream.indirect.gather [hbm4b:s3+s15], $0x10, s1, s15, $0xb8;
	[tilespmem:$0x104D0] =	vst v63  }
0x91: {  	_ = 	snop  }
0x92: {  	[tilespmem:s17], [sflag:$0x2] =	stream.indirect.gather [hbm4b:s3+s15], $0x10, s15, s15, $0xb8;
	[tilespmem:$0x104D0] =	vst v63  }
0x93: {  	_ =	swait.ge [sflag:s14], $0x6800  }
0x94: {  	[sflag:s14] =	ssyncset.done $0x0  }
0x95: {  	[sflag:s14] =	ssyncadd.s32 $0xFFFF9800  }
0x96: {  	[hbm4b:s10+s1] =	stream.linear.scatter [tilespmem:s16], [sflag:$0x3], $0x6800, $0x38;
	[tilespmem:$0x104D0] =	vst v63  }
0x97: {  	_ =	swait.ge [sflag:s18], $0x6800  }
0x98: {  	[sflag:s18] =	ssyncset.done $0x0  }
0x99: {  	[sflag:s18] =	ssyncadd.s32 $0xFFFF9800  }
0x9a: {  	[tilespmem:s16], [sflag:$0x1] =	stream.indirect.gather [hbm4b:s3+s15], $0x10, s19, s15, $0xb8;
	[tilespmem:$0x104D0] =	vst v63  }
0x9b: {  	_ =	swait.ge [sflag:s20], $0x6800  }
0x9c: {  	[sflag:s20] =	ssyncset.done $0x0  }
0x9d: {  	[sflag:s20] =	ssyncadd.s32 $0xFFFF9800  }
0x9e: {  	[hbm4b:s5+s1] =	stream.linear.scatter [tilespmem:s17], [sflag:$0x4], $0x6800, $0x38;
	[tilespmem:$0x104D0] =	vst v63  }
0x9f: {  	_ =	swait.ge [sflag:s21], $0x6800  }
0xa0: {  	[sflag:s21] =	ssyncset.done $0x0  }
0xa1: {  	[sflag:s21] =	ssyncadd.s32 $0xFFFF9800  }
0xa2: {  	[tilespmem:s17], [sflag:$0x2] =	stream.indirect.gather [hbm4b:s3+s15], $0x10, s22, s15, $0xb8;
	[tilespmem:$0x104D0] =	vst v63  }
0xa3: {  	_ =	swait.ge [sflag:s14], $0x6800  }
0xa4: {  	[sflag:s14] =	ssyncset.done $0x0  }
0xa5: {  	[sflag:s14] =	ssyncadd.s32 $0xFFFF9800  }
0xa6: {  	[hbm4b:s6+s1] =	stream.linear.scatter [tilespmem:s16], [sflag:$0x3], $0x6800, $0x38;
	[tilespmem:$0x104D0] =	vst v63  }
0xa7: {  	_ =	swait.ge [sflag:s18], $0x6800  }
0xa8: {  	[sflag:s18] =	ssyncset.done $0x0  }
0xa9: {  	[sflag:s18] =	ssyncadd.s32 $0xFFFF9800  }
0xaa: {  	[tilespmem:s16], [sflag:$0x1] =	stream.indirect.gather [hbm4b:s3+s15], $0x10, s23, s15, $0xb8;
	[tilespmem:$0x104D0] =	vst v63  }
0xab: {  	_ =	swait.ge [sflag:s20], $0x6800  }
0xac: {  	[sflag:s20] =	ssyncset.done $0x0  }
0xad: {  	[sflag:s20] =	ssyncadd.s32 $0xFFFF9800  }
0xae: {  	[hbm4b:s7+s1] =	stream.linear.scatter [tilespmem:s17], [sflag:$0x4], $0x6800, $0x38;
	[tilespmem:$0x104D0] =	vst v63  }
0xaf: {  	_ =	swait.ge [sflag:s21], $0x6800  }
0xb0: {  	[sflag:s21] =	ssyncset.done $0x0  }
0xb1: {  	[sflag:s21] =	ssyncadd.s32 $0xFFFF9800  }
0xb2: {  	[tilespmem:s17], [sflag:$0x2] =	stream.indirect.gather [hbm4b:s3+s15], $0x10, s24, s15, $0xb8;
	[tilespmem:$0x104D0] =	vst v63  }
0xb3: {  	_ =	swait.ge [sflag:s14], $0x6800  }
0xb4: {  	[sflag:s14] =	ssyncset.done $0x0  }
0xb5: {  	[sflag:s14] =	ssyncadd.s32 $0xFFFF9800  }
0xb6: {  	[hbm4b:s8+s1] =	stream.linear.scatter [tilespmem:s16], [sflag:$0x3], $0x6800, $0x38;
	[tilespmem:$0x104D0] =	vst v63  }
0xb7: {  	_ =	swait.ge [sflag:s18], $0x6800  }
0xb8: {  	[sflag:s18] =	ssyncset.done $0x0  }
0xb9: {  	[sflag:s18] =	ssyncadd.s32 $0xFFFF9800  }
0xba: {  	[tilespmem:s16], [sflag:$0x1] =	stream.indirect.gather [hbm4b:s3+s15], $0x10, s25, s15, $0xb8;
	[tilespmem:$0x104D0] =	vst v63  }
0xbb: {  	_ =	swait.ge [sflag:s20], $0x6800  }
0xbc: {  	[sflag:s20] =	ssyncset.done $0x0  }
0xbd: {  	[sflag:s20] =	ssyncadd.s32 $0xFFFF9800  }
0xbe: {  	[hbm4b:s9+s1] =	stream.linear.scatter [tilespmem:s17], [sflag:$0x4], $0x6800, $0x38;
	[tilespmem:$0x104D0] =	vst v63  }
0xbf: {  	_ =	swait.ge [sflag:s21], $0x6800  }
0xc0: {  	[sflag:s21] =	ssyncset.done $0x0  }
0xc1: {  	[sflag:s21] =	ssyncadd.s32 $0xFFFF9800  }
0xc2: {  	[tilespmem:s17], [sflag:$0x2] =	stream.indirect.gather [hbm4b:s3+s15], $0x10, s26, s15, $0xb8;
	[tilespmem:$0x104D0] =	vst v63  }
0xc3: {  	_ =	swait.ge [sflag:s14], $0x6800  }
0xc4: {  	[sflag:s14] =	ssyncset.done $0x0  }
0xc5: {  	[sflag:s14] =	ssyncadd.s32 $0xFFFF9800  }
0xc6: {  	[hbm4b:s11+s1] =	stream.linear.scatter [tilespmem:s16], [sflag:$0x3], $0x6800, $0x38;
	[tilespmem:$0x104D0] =	vst v63  }
0xc7: {  	_ =	swait.ge [sflag:s18], $0x6800  }
0xc8: {  	[sflag:s18] =	ssyncset.done $0x0  }
0xc9: {  	[sflag:s18] =	ssyncadd.s32 $0xFFFF9800  }
0xca: {  	s28 =	sadd.s32 $0x1, s28;
	_ =	swait.ge [sflag:s20], $0x6800  }
0xcb: {  	p0 =	sne.s32 s28, s13;
	[sflag:s20] =	ssyncset.done $0x0  }
.Ltmp1:
0xcc: {  	[sflag:s20] =	ssyncadd.s32 $0xFFFF9800;
	(pc) =	sbr.rel @p0 .LBB2_1-.Ltmp1, $4  }
0xcd: {  	[hbm4b:s12+s1] =	stream.linear.scatter [tilespmem:s17], [sflag:$0x4], $0x6800, $0x38;
	[tilespmem:$0x104D0] =	vst v63  }
0xce: {  	_ =	swait.ge [sflag:s21], $0x6800  }
0xcf: {  	[sflag:s21] =	ssyncset.done $0x0  }
0xd0: {  	[sflag:s21] =	ssyncadd.s32 $0xFFFF9800  }
0xd1: {  	_ =	sfence.sel $0x180000  }
0xd2: {  	[bflag:$0x0] =	sbarrier.arrive $0xFFFF  }
0xd3: {  	p0 =	sne.s32 s2, $0x0;
	_ =	strace $0x90000047  }
0xd4: {  	s0 =	sadd.s32 @!p0 $0x100000, s0;
	[bflag:$0x2] =	sbarrier.arrive $0xFFFF  }
0xd5: {  	[sflag:s0] =	ssyncadd.tile.s32 @!p0 $0x1;
	_ =	shalt  }
.Lfunc_end2:
_tile_overlayer_lowered:
.L_overlay_start_2:
0xd6: {  	(tag) =	ssettag $0x2  }
0xd7: {  	s0 =	rddreg [dreg:$0x0];
	s2 =	stileid.u32  }
0xd8: {  	s1 =	rddreg [dreg:$0x1];
	p0 =	sne.s32 s2, $0x0  }
0xd9: {  	s3 =	rddreg [dreg:$0x2];
	[bflag:$0x3] =	sbarrier.arrive $0xFFFF;
	s2 =	simm.s32 @!p0 $0x1C05  }
0xda: {  	[timem:s3], [sflag:s2] =	dma.local @!p0 [hbm:s0], s1  }
0xdb: {  	s0 =	simm.s32 @!p0 $0x5  }
0xdc: {  	_ =	swait.ge @!p0 [sflag:s0], s1  }
0xdd: {  	s1 =	ssub.s32 @!p0 $0x0, s1;
	[sflag:s0] =	ssyncset.done @!p0 $0x0  }
0xde: {  	[sflag:s0] =	ssyncadd.s32 @!p0 s1  }
0xdf: {  	[bflag:$0x3] =	sbarrier.arrive $0xFFFF  }
0xe0: {  	_ =	shalt  }

</sc_bundles>
